<compile_context>
chip_gen: v7x
topology: tpu7x:2x2x1
jax: 0.10.2.dev20260603
libtpu: 0.0.44.dev20260713+nightly
codegen_flags: <defaults>
</compile_context>

<pallas_src>
import jax
import jax.numpy as jnp
from jax.experimental import pallas as pl
from jax.experimental.pallas import tpu as pltpu
from jax.experimental.pallas import tpu_sc as plsc

N_HEADS = 16
D = 64
WINDOW = 400


def _sc_gather(table2, idx2):
    n_idx = idx2.shape[0]
    mesh = plsc.VectorSubcoreMesh(core_axis_name="core", subcore_axis_name="subcore")

    @pl.kernel(
        out_type=jax.ShapeDtypeStruct((n_idx, 2 * D), table2.dtype),
        mesh=mesh,
    )
    def kern(x_hbm, i_hbm, o_hbm):
        def body(i_vmem, o_vmem):
            pltpu.sync_copy(x_hbm.at[i_vmem.at[0, 0]], o_vmem)

        pltpu.emit_pipeline(
            body,
            grid=(n_idx // WINDOW,),
            in_specs=[pl.BlockSpec((1, 1, WINDOW), index_map=lambda i: (i, 0, 0))],
            out_specs=[pl.BlockSpec((WINDOW, 2 * D), index_map=lambda i: (i, 0))],
            core_axis_name=("core", "subcore"),
            dimension_semantics=(pltpu.PARALLEL,),
        )(i_hbm, o_hbm)

    return kern(table2, idx2.reshape(n_idx // WINDOW, 1, WINDOW))


def _tc_select_broadcast(g3, par3, batch, heads, mh):

    def body(g_ref, p_ref, out_hbm, sel_ref, sems):
        c = pl.program_id(0)
        g = g_ref[0].reshape(mh, 4 * D)
        pe = p_ref[0][:, 0:1]
        po = p_ref[0][:, 8:9]
        a0 = g[:, :D]
        a1 = g[:, D : 2 * D]
        b0 = g[:, 2 * D : 3 * D]
        b1 = g[:, 3 * D :]
        sel_ref[...] = jnp.concatenate(
            [a0 + (a1 - a0) * pe, b0 + (b1 - b0) * po], axis=1
        )
        copies = [
            pltpu.make_async_copy(sel_ref, out_hbm.at[a, c], sems.at[a])
            for a in range(heads)
        ]
        for cp in copies:
            cp.start()
        for cp in copies:
            cp.wait()

    return pl.pallas_call(
        body,
        grid=(batch,),
        in_specs=[
            pl.BlockSpec((1, 2 * mh, 2 * D), lambda c: (c, 0, 0)),
            pl.BlockSpec((1, mh, 16), lambda c: (c, 0, 0)),
        ],
        out_specs=pl.BlockSpec(memory_space=pl.ANY),
        out_shape=jax.ShapeDtypeStruct((heads, batch, mh, 2 * D), g3.dtype),
        scratch_shapes=[
            pltpu.VMEM((mh, 2 * D), g3.dtype),
            pltpu.SemaphoreType.DMA((heads,)),
        ],
    )(g3, par3)


def kernel(src_seq, structure_emb):
    batch, num_posts, _ = src_seq.shape
    m = num_posts * num_posts
    mh = m // 2
    flat_idx = src_seq.reshape(-1).astype(jnp.int32)
    table2 = structure_emb.reshape(-1, 2 * D)
    gathered = _sc_gather(table2, flat_idx >> 1)
    g3 = gathered.reshape(batch, m, 2 * D)
    par = (flat_idx & 1).astype(jnp.float32)
    par3 = jnp.repeat(par.reshape(batch, mh, 2), 8, axis=2)
    out = _tc_select_broadcast(g3, par3, batch, N_HEADS, mh)
    return out.reshape(batch, N_HEADS, num_posts, num_posts, D)

# --- scband reference (transcript-rebuilt; emitter-appended) ---
"""Pipeline reference for scband-learned-position-encoder-19834158973614 (READ-ONLY COPY).

The authoritative reference and input builder live on the scoring server;
editing this copy changes nothing except your own understanding.
"""

import jax, jax.numpy as jnp
import numpy as np

N_HEADS = 16
N_POS = 100000  # num_structure_index + 1
D_EMB_PER_HEAD = 64  # emb_dim // n_heads = 1024 // 16
BATCH = 16
NUM_POSTS = 50


def setup_inputs(seed: int = 0) -> dict:
    key = jax.random.key(seed)
    k1, k2 = jax.random.split(key)
    src_seq = jax.random.randint(k1, (BATCH, NUM_POSTS, NUM_POSTS), 0, N_POS, dtype=jnp.int64 if jax.config.jax_enable_x64 else jnp.int32)
    structure_emb = jax.random.normal(k2, (N_POS, D_EMB_PER_HEAD), dtype=jnp.float32) * 0.02
    return {"src_seq": src_seq, "structure_emb": structure_emb}


def reference(src_seq, structure_emb):
    batch_size, num_posts, _ = src_seq.shape
    # torch: src_seq.repeat(n_heads, 1, 1) -> tile along dim 0
    src = jnp.tile(src_seq, (N_HEADS, 1, 1))  # [n_heads*batch, P, P]
    # embedding lookup (gather rows)
    enc = jnp.take(structure_emb, src, axis=0)  # [n_heads*batch, P, P, d]
    # torch: .view(batch_size, n_heads, P, P, -1)
    enc = enc.reshape(batch_size, N_HEADS, num_posts, num_posts, -1)
    return enc

if __name__ == "__main__":
    import jax
    _d = setup_inputs()
    print(jax.jit(kernel)(*tuple(_d.values())))

</pallas_src>

<mosaic_0001>
#map = affine_map<(d0, d1) -> (0, 0)>
#map1 = affine_map<(d0, d1) -> (0, 0, 0)>
module attributes {stable_mosaic.version = 14 : i64} {
  func.func @kern(%arg0: i32, %arg1: i32, %arg2: memref<50000x128xf32, #tpu.memory_space<hbm>>, %arg3: memref<100x1x400xi32, #tpu.memory_space<hbm>>, %arg4: memref<40000x128xf32, #tpu.memory_space<hbm>>) attributes {dimension_semantics = [#tpu.dimension_semantics<core_parallel>, #tpu.dimension_semantics<subcore_parallel>], iteration_bounds = array<i64: 2, 16>, scalar_prefetch = 0 : i64, scratch_operands = 0 : i64, tpu.core_type = #tpu.core_type<sc_vector_subcore>, window_params = [{transform_indices = #map}, {transform_indices = #map1}, {transform_indices = #map}]} {
    %mul3A = arith.constant 1 : i32
    %mul3A_0 = arith.muli %arg1, %mul3A : i32
    %add3A = arith.constant 0 : i32
    %add3A_1 = arith.addi %add3A, %mul3A_0 : i32
    %mul3A_2 = arith.constant 16 : i32
    %mul3A_3 = arith.muli %arg0, %mul3A_2 : i32
    %add3A_4 = arith.addi %add3A_1, %mul3A_3 : i32
    %lt3A = arith.constant 4 : i32
    %lt3A_5 = arith.cmpi slt, %add3A_4, %lt3A : i32
    %jit3A = arith.constant 4 : i32
    %jit3A_6 = arith.constant 3 : i32
    %select_n3A = arith.select %lt3A_5, %jit3A, %jit3A_6 : i32
    %lt3A_7 = arith.constant 4 : i32
    %lt3A_8 = arith.cmpi slt, %add3A_4, %lt3A_7 : i32
    %mul3A_9 = arith.muli %add3A_4, %select_n3A : i32
    %mul3A_10 = arith.constant 3 : i32
    %mul3A_11 = arith.muli %add3A_4, %mul3A_10 : i32
    %add3A_12 = arith.constant 4 : i32
    %add3A_13 = arith.addi %mul3A_11, %add3A_12 : i32
    %select_n3A_14 = arith.select %lt3A_8, %mul3A_9, %add3A_13 : i32
    %mul3A_15 = arith.constant 1 : i32
    %mul3A_16 = arith.muli %mul3A_15, %select_n3A : i32
    "tpu.region"() ({
      %run_scoped3A = memref.alloca() : memref<2x1x1x400xi32, #tpu.memory_space<vmem>>
      %run_scoped3A_17 = tpu.sem_alloc : memref<2x!tpu.dma_semaphore, #tpu.memory_space<semaphore_mem>>
      %run_scoped3A_18 = memref.alloca() : memref<2x400x128xf32, #tpu.memory_space<vmem>>
      %run_scoped3A_19 = tpu.sem_alloc : memref<2x!tpu.dma_semaphore, #tpu.memory_space<semaphore_mem>>
      %gt3A = arith.constant 0 : i32
      %gt3A_20 = arith.cmpi sgt, %mul3A_16, %gt3A : i32
      %convert_element_type3A = arith.extui %gt3A_20 : i1 to i32
      %cond3A = arith.constant 0 : i32
      %cond3A_21 = arith.cmpi ne, %convert_element_type3A, %cond3A : i32
      scf.if %cond3A_21 {
        %mul3A_22 = arith.constant 1 : i32
        %mul3A_23 = arith.muli %mul3A_22, %select_n3A : i32
        %sub3A = arith.constant 1 : i32
        %sub3A_24 = arith.subi %mul3A_23, %sub3A : i32
        %eq3A = arith.constant 0 : i32
        %eq3A_25 = arith.cmpi eq, %sub3A_24, %eq3A : i32
        %add3A_26 = arith.constant 0 : i32
        %add3A_27 = arith.addi %add3A_26, %select_n3A_14 : i32
        %select_n3A_28 = arith.constant true
        %select_n3A_29 = arith.constant 0 : i32
        %select_n3A_30 = arith.constant -1 : i32
        %select_n3A_31 = arith.select %select_n3A_28, %select_n3A_30, %select_n3A_29 : i32
        %eq3A_32 = arith.constant -1 : i32
        %eq3A_33 = arith.cmpi eq, %select_n3A_31, %eq3A_32 : i32
        %sub3A_34 = arith.constant 1 : i32
        %sub3A_35 = arith.subi %select_n3A, %sub3A_34 : i32
        %select_n3A_36 = arith.select %eq3A_33, %sub3A_35, %select_n3A_31 : i32
        %add3A_37 = arith.addi %select_n3A_36, %select_n3A_14 : i32
        %select_n3A_38 = arith.constant true
        %select_n3A_39 = arith.constant 0 : i32
        %select_n3A_40 = arith.constant 1 : i32
        %select_n3A_41 = arith.select %select_n3A_38, %select_n3A_40, %select_n3A_39 : i32
        %eq3A_42 = arith.cmpi eq, %select_n3A_41, %select_n3A : i32
        %select_n3A_43 = arith.constant 0 : i32
        %select_n3A_44 = arith.select %eq3A_42, %select_n3A_43, %select_n3A_41 : i32
        %add3A_45 = arith.addi %select_n3A_44, %select_n3A_14 : i32
        %add3A_46 = arith.constant 1 : i32
        %add3A_47 = arith.addi %select_n3A_44, %add3A_46 : i32
        %select_n3A_48 = arith.constant true
        %select_n3A_49 = arith.select %select_n3A_48, %add3A_47, %select_n3A_44 : i32
        %eq3A_50 = arith.cmpi eq, %select_n3A_49, %select_n3A : i32
        %select_n3A_51 = arith.constant 0 : i32
        %select_n3A_52 = arith.select %eq3A_50, %select_n3A_51, %select_n3A_49 : i32
        %add3A_53 = arith.addi %select_n3A_52, %select_n3A_14 : i32
        "tpu.trace_start"() <{level = 10 : i32, message = "ep_initialize_0"}> : () -> ()
        %rem3A = arith.constant 0 : i32
        %rem3A_54 = arith.constant 2 : i32
        %rem3A_55 = arith.remui %rem3A, %rem3A_54 : i32
        %mul3A_56 = arith.constant 1 : i32
        %mul3A_57 = arith.muli %mul3A_56, %add3A_27 : i32
        %dma_start3A = arith.constant 0 : i32
        %dma_start3A_58 = arith.constant 0 : i32
        %dma_start3A_59 = arith.constant 0 : i32
        %dma_start3A_60 = tpu.memref_slice %run_scoped3A[%rem3A_55, %dma_start3A, %dma_start3A_58, %dma_start3A_59] : memref<2x1x1x400xi32, #tpu.memory_space<vmem>> -> memref<1x1x1x400xi32, #tpu.memory_space<vmem>>
        %dma_start3A_61 = tpu.memref_squeeze %dma_start3A_60 : memref<1x1x1x400xi32, #tpu.memory_space<vmem>> -> memref<1x1x400xi32, #tpu.memory_space<vmem>>
        %dma_start3A_62 = arith.constant 0 : i32
        %dma_start3A_63 = arith.constant 0 : i32
        %dma_start3A_64 = tpu.memref_slice %arg3[%mul3A_57, %dma_start3A_62, %dma_start3A_63] : memref<100x1x400xi32, #tpu.memory_space<hbm>> -> memref<1x1x400xi32, #tpu.memory_space<hbm>>
        %dma_start3A_65 = tpu.memref_slice %run_scoped3A_17[%rem3A_55] : memref<2x!tpu.dma_semaphore, #tpu.memory_space<semaphore_mem>> -> memref<1x!tpu.dma_semaphore, #tpu.memory_space<semaphore_mem>>
        %dma_start3A_66 = tpu.memref_squeeze %dma_start3A_65 : memref<1x!tpu.dma_semaphore, #tpu.memory_space<semaphore_mem>> -> memref<!tpu.dma_semaphore, #tpu.memory_space<semaphore_mem>>
        %dma_start3A_67 = arith.constant 0 : i32
        %dma_start3A_68 = arith.constant 0 : i32
        %dma_start3A_69 = arith.constant 0 : i32
        %dma_start3A_70 = tpu.memref_slice %run_scoped3A[%rem3A_55, %dma_start3A_67, %dma_start3A_68, %dma_start3A_69] : memref<2x1x1x400xi32, #tpu.memory_space<vmem>> -> memref<1x1x1x400xi32, #tpu.memory_space<vmem>>
        %dma_start3A_71 = tpu.memref_squeeze %dma_start3A_70 : memref<1x1x1x400xi32, #tpu.memory_space<vmem>> -> memref<1x1x400xi32, #tpu.memory_space<vmem>>
        %dma_start3A_72 = arith.constant 0 : i32
        %dma_start3A_73 = arith.constant 0 : i32
        %dma_start3A_74 = tpu.memref_slice %arg3[%mul3A_57, %dma_start3A_72, %dma_start3A_73] : memref<100x1x400xi32, #tpu.memory_space<hbm>> -> memref<1x1x400xi32, #tpu.memory_space<hbm>>
        tpu.enqueue_dma source(%dma_start3A_74 : memref<1x1x400xi32, #tpu.memory_space<hbm>>) target(%dma_start3A_71 : memref<1x1x400xi32, #tpu.memory_space<vmem>>) target_semaphore(%dma_start3A_66 : memref<!tpu.dma_semaphore, #tpu.memory_space<semaphore_mem>>)
        %add3A_75 = arith.constant 0 : i32
        %add3A_76 = arith.constant 1 : i32
        %add3A_77 = arith.addi %add3A_75, %add3A_76 : i32
        %select_n3A_78 = arith.constant true
        %select_n3A_79 = arith.constant 0 : i32
        %select_n3A_80 = arith.select %select_n3A_78, %add3A_77, %select_n3A_79 : i32
        %while3A = arith.constant 0 : i32
        %while3A_81 = arith.constant 0 : i32
        %while3A_82 = arith.constant 0 : i32
        %while3A_83 = arith.constant 0 : i32
        %while3A_84 = arith.constant 0 : i32
        "tpu.trace_stop"() : () -> ()
        %while3A_85 = arith.subi %mul3A_16, %while3A : i32
        %while3A_86 = arith.addi %while3A, %while3A_85 : i32
        %while3A_87 = arith.constant 1 : i32
        %while3A_88 = arith.divsi %while3A_85, %while3A_87 : i32
        %while3A_89 = arith.muli %while3A_88, %while3A_87 : i32
        %while3A_90 = arith.addi %while3A, %while3A_89 : i32
        %while3A_91 = arith.constant 1 : i32
        %while3A_92:5 = scf.for %while3A_146 = %while3A to %while3A_90 step %while3A_91 iter_args(%while3A_147 = %select_n3A_80, %while3A_148 = %while3A_81, %while3A_149 = %while3A_82, %while3A_150 = %while3A_83, %while3A_151 = %while3A_84) -> (i32, i32, i32, i32, i32)  : i32 {
          %mul3A_152 = arith.constant 1 : i32
          %mul3A_153 = arith.muli %mul3A_152, %select_n3A : i32
          %eq3A_154 = arith.constant 0 : i32
          %eq3A_155 = arith.cmpi eq, %while3A_146, %eq3A_154 : i32
          %sub3A_156 = arith.constant 1 : i32
          %sub3A_157 = arith.subi %mul3A_153, %sub3A_156 : i32
          %eq3A_158 = arith.cmpi eq, %while3A_146, %sub3A_157 : i32
          %add3A_159 = arith.addi %while3A_151, %select_n3A_14 : i32
          %sub3A_160 = arith.constant 1 : i32
          %sub3A_161 = arith.subi %while3A_151, %sub3A_160 : i32
          %select_n3A_162 = arith.constant true
          %select_n3A_163 = arith.select %select_n3A_162, %sub3A_161, %while3A_151 : i32
          %eq3A_164 = arith.constant -1 : i32
          %eq3A_165 = arith.cmpi eq, %select_n3A_163, %eq3A_164 : i32
          %sub3A_166 = arith.constant 1 : i32
          %sub3A_167 = arith.subi %select_n3A, %sub3A_166 : i32
          %select_n3A_168 = arith.select %eq3A_165, %sub3A_167, %select_n3A_163 : i32
          %add3A_169 = arith.addi %select_n3A_168, %select_n3A_14 : i32
          %add3A_170 = arith.constant 1 : i32
          %add3A_171 = arith.addi %while3A_151, %add3A_170 : i32
          %select_n3A_172 = arith.constant true
          %select_n3A_173 = arith.select %select_n3A_172, %add3A_171, %while3A_151 : i32
          %eq3A_174 = arith.cmpi eq, %select_n3A_173, %select_n3A : i32
          %select_n3A_175 = arith.constant 0 : i32
          %select_n3A_176 = arith.select %eq3A_174, %select_n3A_175, %select_n3A_173 : i32
          %add3A_177 = arith.addi %select_n3A_176, %select_n3A_14 : i32
          %add3A_178 = arith.constant 1 : i32
          %add3A_179 = arith.addi %select_n3A_176, %add3A_178 : i32
          %select_n3A_180 = arith.constant true
          %select_n3A_181 = arith.select %select_n3A_180, %add3A_179, %select_n3A_176 : i32
          %eq3A_182 = arith.cmpi eq, %select_n3A_181, %select_n3A : i32
          %select_n3A_183 = arith.constant 0 : i32
          %select_n3A_184 = arith.select %eq3A_182, %select_n3A_183, %select_n3A_181 : i32
          %add3A_185 = arith.addi %select_n3A_184, %select_n3A_14 : i32
          %ne3A = arith.cmpi ne, %add3A_159, %add3A_177 : i32
          %or3A = arith.constant false
          %or3A_186 = arith.ori %or3A, %ne3A : i1
          %or3A_187 = arith.constant false
          %or3A_188 = arith.ori %or3A_186, %or3A_187 : i1
          %or3A_189 = arith.constant false
          %or3A_190 = arith.ori %or3A_188, %or3A_189 : i1
          %sub3A_191 = arith.constant 2 : i32
          %sub3A_192 = arith.subi %mul3A_153, %sub3A_191 : i32
          %add3A_193 = arith.constant 1 : i32
          %add3A_194 = arith.addi %sub3A_192, %add3A_193 : i32
          %ge3A = arith.cmpi sge, %while3A_146, %add3A_194 : i32
          %not3A = arith.constant true
          %not3A_195 = arith.xori %ge3A, %not3A : i1
          %and3A = arith.andi %or3A_190, %not3A_195 : i1
          %convert_element_type3A_196 = arith.extui %and3A : i1 to i32
          %cond3A_197 = arith.constant 0 : i32
          %cond3A_198 = arith.cmpi ne, %convert_element_type3A_196, %cond3A_197 : i32
          scf.if %cond3A_198 {
            "tpu.trace_start"() <{level = 10 : i32, message = "ep_copy_in"}> : () -> ()
            %rem3A_319 = arith.constant 2 : i32
            %rem3A_320 = arith.remui %while3A_147, %rem3A_319 : i32
            %mul3A_321 = arith.constant 1 : i32
            %mul3A_322 = arith.muli %mul3A_321, %add3A_177 : i32
            %dma_start3A_323 = arith.constant 0 : i32
            %dma_start3A_324 = arith.constant 0 : i32
            %dma_start3A_325 = arith.constant 0 : i32
            %dma_start3A_326 = tpu.memref_slice %run_scoped3A[%rem3A_320, %dma_start3A_323, %dma_start3A_324, %dma_start3A_325] : memref<2x1x1x400xi32, #tpu.memory_space<vmem>> -> memref<1x1x1x400xi32, #tpu.memory_space<vmem>>
            %dma_start3A_327 = tpu.memref_squeeze %dma_start3A_326 : memref<1x1x1x400xi32, #tpu.memory_space<vmem>> -> memref<1x1x400xi32, #tpu.memory_space<vmem>>
            %dma_start3A_328 = arith.constant 0 : i32
            %dma_start3A_329 = arith.constant 0 : i32
            %dma_start3A_330 = tpu.memref_slice %arg3[%mul3A_322, %dma_start3A_328, %dma_start3A_329] : memref<100x1x400xi32, #tpu.memory_space<hbm>> -> memref<1x1x400xi32, #tpu.memory_space<hbm>>
            %dma_start3A_331 = tpu.memref_slice %run_scoped3A_17[%rem3A_320] : memref<2x!tpu.dma_semaphore, #tpu.memory_space<semaphore_mem>> -> memref<1x!tpu.dma_semaphore, #tpu.memory_space<semaphore_mem>>
            %dma_start3A_332 = tpu.memref_squeeze %dma_start3A_331 : memref<1x!tpu.dma_semaphore, #tpu.memory_space<semaphore_mem>> -> memref<!tpu.dma_semaphore, #tpu.memory_space<semaphore_mem>>
            %dma_start3A_333 = arith.constant 0 : i32
            %dma_start3A_334 = arith.constant 0 : i32
            %dma_start3A_335 = arith.constant 0 : i32
            %dma_start3A_336 = tpu.memref_slice %run_scoped3A[%rem3A_320, %dma_start3A_333, %dma_start3A_334, %dma_start3A_335] : memref<2x1x1x400xi32, #tpu.memory_space<vmem>> -> memref<1x1x1x400xi32, #tpu.memory_space<vmem>>
            %dma_start3A_337 = tpu.memref_squeeze %dma_start3A_336 : memref<1x1x1x400xi32, #tpu.memory_space<vmem>> -> memref<1x1x400xi32, #tpu.memory_space<vmem>>
            %dma_start3A_338 = arith.constant 0 : i32
            %dma_start3A_339 = arith.constant 0 : i32
            %dma_start3A_340 = tpu.memref_slice %arg3[%mul3A_322, %dma_start3A_338, %dma_start3A_339] : memref<100x1x400xi32, #tpu.memory_space<hbm>> -> memref<1x1x400xi32, #tpu.memory_space<hbm>>
            tpu.enqueue_dma source(%dma_start3A_340 : memref<1x1x400xi32, #tpu.memory_space<hbm>>) target(%dma_start3A_337 : memref<1x1x400xi32, #tpu.memory_space<vmem>>) target_semaphore(%dma_start3A_332 : memref<!tpu.dma_semaphore, #tpu.memory_space<semaphore_mem>>)
            "tpu.trace_stop"() : () -> ()
          } else {
          }
          %and3A_199 = arith.constant true
          %and3A_200 = arith.andi %and3A, %and3A_199 : i1
          %add3A_201 = arith.constant 1 : i32
          %add3A_202 = arith.addi %while3A_147, %add3A_201 : i32
          %select_n3A_203 = arith.select %and3A_200, %add3A_202, %while3A_147 : i32
          %ne3A_204 = arith.cmpi ne, %add3A_159, %add3A_177 : i32
          %or3A_205 = arith.constant false
          %or3A_206 = arith.ori %or3A_205, %ne3A_204 : i1
          %or3A_207 = arith.constant false
          %or3A_208 = arith.ori %or3A_206, %or3A_207 : i1
          %sub3A_209 = arith.constant 2 : i32
          %sub3A_210 = arith.subi %mul3A_153, %sub3A_209 : i32
          %add3A_211 = arith.constant 1 : i32
          %add3A_212 = arith.addi %sub3A_210, %add3A_211 : i32
          %ge3A_213 = arith.cmpi sge, %while3A_146, %add3A_212 : i32
          %not3A_214 = arith.constant true
          %not3A_215 = arith.xori %ge3A_213, %not3A_214 : i1
          %and3A_216 = arith.andi %or3A_208, %not3A_215 : i1
          %ne3A_217 = arith.cmpi ne, %add3A_159, %add3A_169 : i32
          %or3A_218 = arith.constant false
          %or3A_219 = arith.ori %or3A_218, %ne3A_217 : i1
          %or3A_220 = arith.constant false
          %or3A_221 = arith.ori %or3A_219, %or3A_220 : i1
          %or3A_222 = arith.constant false
          %or3A_223 = arith.ori %or3A_221, %or3A_222 : i1
          %or3A_224 = arith.ori %or3A_223, %eq3A_155 : i1
          %convert_element_type3A_225 = arith.extui %or3A_224 : i1 to i32
          %cond3A_226 = arith.constant 0 : i32
          %cond3A_227 = arith.cmpi ne, %convert_element_type3A_225, %cond3A_226 : i32
          scf.if %cond3A_227 {
            "tpu.trace_start"() <{level = 10 : i32, message = "ep_wait_in"}> : () -> ()
            %mul3A_319 = arith.constant 1 : i32
            %mul3A_320 = arith.muli %mul3A_319, %add3A_159 : i32
            %rem3A_321 = arith.constant 2 : i32
            %rem3A_322 = arith.remui %while3A_148, %rem3A_321 : i32
            %dma_wait3A = arith.constant 0 : i32
            %dma_wait3A_323 = arith.constant 0 : i32
            %dma_wait3A_324 = arith.constant 0 : i32
            %dma_wait3A_325 = tpu.memref_slice %run_scoped3A[%rem3A_322, %dma_wait3A, %dma_wait3A_323, %dma_wait3A_324] : memref<2x1x1x400xi32, #tpu.memory_space<vmem>> -> memref<1x1x1x400xi32, #tpu.memory_space<vmem>>
            %dma_wait3A_326 = tpu.memref_squeeze %dma_wait3A_325 : memref<1x1x1x400xi32, #tpu.memory_space<vmem>> -> memref<1x1x400xi32, #tpu.memory_space<vmem>>
            %dma_wait3A_327 = arith.constant 0 : i32
            %dma_wait3A_328 = arith.constant 0 : i32
            %dma_wait3A_329 = tpu.memref_slice %arg3[%mul3A_320, %dma_wait3A_327, %dma_wait3A_328] : memref<100x1x400xi32, #tpu.memory_space<hbm>> -> memref<1x1x400xi32, #tpu.memory_space<hbm>>
            %dma_wait3A_330 = tpu.memref_slice %run_scoped3A_17[%rem3A_322] : memref<2x!tpu.dma_semaphore, #tpu.memory_space<semaphore_mem>> -> memref<1x!tpu.dma_semaphore, #tpu.memory_space<semaphore_mem>>
            %dma_wait3A_331 = tpu.memref_squeeze %dma_wait3A_330 : memref<1x!tpu.dma_semaphore, #tpu.memory_space<semaphore_mem>> -> memref<!tpu.dma_semaphore, #tpu.memory_space<semaphore_mem>>
            %dma_wait3A_332 = arith.constant 0 : i32
            %dma_wait3A_333 = arith.constant 0 : i32
            %dma_wait3A_334 = arith.constant 0 : i32
            %dma_wait3A_335 = tpu.memref_slice %run_scoped3A[%rem3A_322, %dma_wait3A_332, %dma_wait3A_333, %dma_wait3A_334] : memref<2x1x1x400xi32, #tpu.memory_space<vmem>> -> memref<1x1x1x400xi32, #tpu.memory_space<vmem>>
            %dma_wait3A_336 = tpu.memref_squeeze %dma_wait3A_335 : memref<1x1x1x400xi32, #tpu.memory_space<vmem>> -> memref<1x1x400xi32, #tpu.memory_space<vmem>>
            %dma_wait3A_337 = arith.constant 0 : i32
            %dma_wait3A_338 = arith.constant 0 : i32
            %dma_wait3A_339 = tpu.memref_slice %arg3[%mul3A_320, %dma_wait3A_337, %dma_wait3A_338] : memref<100x1x400xi32, #tpu.memory_space<hbm>> -> memref<1x1x400xi32, #tpu.memory_space<hbm>>
            tpu.wait_dma2 semaphore(%dma_wait3A_331 : memref<!tpu.dma_semaphore, #tpu.memory_space<semaphore_mem>>) src(%dma_wait3A_339 : memref<1x1x400xi32, #tpu.memory_space<hbm>>) dst(%dma_wait3A_336 : memref<1x1x400xi32, #tpu.memory_space<vmem>>)
            "tpu.trace_stop"() : () -> ()
          } else {
          }
          %ne3A_228 = arith.cmpi ne, %add3A_159, %add3A_169 : i32
          %or3A_229 = arith.constant false
          %or3A_230 = arith.ori %or3A_229, %ne3A_228 : i1
          %or3A_231 = arith.constant false
          %or3A_232 = arith.ori %or3A_230, %or3A_231 : i1
          %or3A_233 = arith.ori %or3A_232, %eq3A_155 : i1
          %convert_element_type3A_234 = arith.extui %or3A_233 : i1 to i32
          %cond3A_235 = arith.constant 0 : i32
          %cond3A_236 = arith.cmpi ne, %convert_element_type3A_234, %cond3A_235 : i32
          scf.if %cond3A_236 {
          } else {
          }
          %rem3A_237 = arith.constant 2 : i32
          %rem3A_238 = arith.remui %while3A_148, %rem3A_237 : i32
          %rem3A_239 = arith.constant 2 : i32
          %rem3A_240 = arith.remui %while3A_149, %rem3A_239 : i32
          %run_scoped3A_241 = arith.constant 0 : i32
          %run_scoped3A_242 = arith.constant 0 : i32
          "tpu.trace_start"() <{level = 10 : i32, message = "ep_run_kernel"}> : () -> ()
          "tpu.region"() ({
            %run_scoped3A_319 = tpu.sem_alloc : memref<!tpu.dma_semaphore, #tpu.memory_space<semaphore_mem>>
            %dma_start3A_320 = arith.constant 0 : i32
            %dma_start3A_321 = arith.constant 0 : i32
            %dma_start3A_322 = tpu.memref_slice %run_scoped3A_18[%rem3A_240, %dma_start3A_320, %dma_start3A_321] : memref<2x400x128xf32, #tpu.memory_space<vmem>> -> memref<1x400x128xf32, #tpu.memory_space<vmem>>
            %dma_start3A_323 = tpu.memref_squeeze %dma_start3A_322 : memref<1x400x128xf32, #tpu.memory_space<vmem>> -> memref<400x128xf32, #tpu.memory_space<vmem>>
            %dma_start3A_324 = arith.constant 0 : i32
            %dma_start3A_325 = arith.constant 0 : i32
            %dma_start3A_326 = arith.constant 0 : i32
            %dma_start3A_327 = tpu.memref_slice %run_scoped3A[%rem3A_238, %dma_start3A_324, %dma_start3A_325, %dma_start3A_326] : memref<2x1x1x400xi32, #tpu.memory_space<vmem>> -> memref<1x1x1x400xi32, #tpu.memory_space<vmem>>
            %dma_start3A_328 = tpu.memref_squeeze %dma_start3A_327 : memref<1x1x1x400xi32, #tpu.memory_space<vmem>> -> memref<1x1x400xi32, #tpu.memory_space<vmem>>
            %dma_start3A_329 = arith.constant 0 : i32
            %dma_start3A_330 = tpu.memref_slice %dma_start3A_328[%run_scoped3A_241, %run_scoped3A_242, %dma_start3A_329] : memref<1x1x400xi32, #tpu.memory_space<vmem>> -> memref<1x1x400xi32, #tpu.memory_space<vmem>>
            %dma_start3A_331 = tpu.memref_squeeze %dma_start3A_330 : memref<1x1x400xi32, #tpu.memory_space<vmem>> -> memref<400xi32, #tpu.memory_space<vmem>>
            %dma_start3A_332 = arith.constant 0 : i32
            %dma_start3A_333 = arith.constant 0 : i32
            %dma_start3A_334 = tpu.memref_slice %arg2[%dma_start3A_332, %dma_start3A_333] : memref<50000x128xf32, #tpu.memory_space<hbm>> -> memref<50000x128xf32, #tpu.memory_space<hbm>>
            tpu.enqueue_indirect_dma source(%dma_start3A_334 : memref<50000x128xf32, #tpu.memory_space<hbm>>) target(%dma_start3A_323 : memref<400x128xf32, #tpu.memory_space<vmem>>) offsets(%dma_start3A_331 : memref<400xi32, #tpu.memory_space<vmem>>) semaphore(%run_scoped3A_319 : memref<!tpu.dma_semaphore, #tpu.memory_space<semaphore_mem>>)
            %dma_wait3A = arith.constant 0 : i32
            %dma_wait3A_335 = arith.constant 0 : i32
            %dma_wait3A_336 = tpu.memref_slice %run_scoped3A_18[%rem3A_240, %dma_wait3A, %dma_wait3A_335] : memref<2x400x128xf32, #tpu.memory_space<vmem>> -> memref<1x400x128xf32, #tpu.memory_space<vmem>>
            %dma_wait3A_337 = tpu.memref_squeeze %dma_wait3A_336 : memref<1x400x128xf32, #tpu.memory_space<vmem>> -> memref<400x128xf32, #tpu.memory_space<vmem>>
            %dma_wait3A_338 = arith.constant 0 : i32
            %dma_wait3A_339 = arith.constant 0 : i32
            %dma_wait3A_340 = arith.constant 0 : i32
            %dma_wait3A_341 = tpu.memref_slice %run_scoped3A[%rem3A_238, %dma_wait3A_338, %dma_wait3A_339, %dma_wait3A_340] : memref<2x1x1x400xi32, #tpu.memory_space<vmem>> -> memref<1x1x1x400xi32, #tpu.memory_space<vmem>>
            %dma_wait3A_342 = tpu.memref_squeeze %dma_wait3A_341 : memref<1x1x1x400xi32, #tpu.memory_space<vmem>> -> memref<1x1x400xi32, #tpu.memory_space<vmem>>
            %dma_wait3A_343 = arith.constant 0 : i32
            %dma_wait3A_344 = tpu.memref_slice %dma_wait3A_342[%run_scoped3A_241, %run_scoped3A_242, %dma_wait3A_343] : memref<1x1x400xi32, #tpu.memory_space<vmem>> -> memref<1x1x400xi32, #tpu.memory_space<vmem>>
            %dma_wait3A_345 = tpu.memref_squeeze %dma_wait3A_344 : memref<1x1x400xi32, #tpu.memory_space<vmem>> -> memref<400xi32, #tpu.memory_space<vmem>>
            %dma_wait3A_346 = arith.constant 0 : i32
            %dma_wait3A_347 = arith.constant 0 : i32
            %dma_wait3A_348 = tpu.memref_slice %arg2[%dma_wait3A_346, %dma_wait3A_347] : memref<50000x128xf32, #tpu.memory_space<hbm>> -> memref<50000x128xf32, #tpu.memory_space<hbm>>
            tpu.wait_indirect_dma semaphore(%run_scoped3A_319 : memref<!tpu.dma_semaphore, #tpu.memory_space<semaphore_mem>>) src(%dma_wait3A_348 : memref<50000x128xf32, #tpu.memory_space<hbm>>) dst(%dma_wait3A_337 : memref<400x128xf32, #tpu.memory_space<vmem>>)
            tpu.yield
          }) : () -> ()
          "tpu.trace_stop"() : () -> ()
          %ne3A_243 = arith.cmpi ne, %add3A_159, %add3A_177 : i32
          %or3A_244 = arith.constant false
          %or3A_245 = arith.ori %or3A_244, %ne3A_243 : i1
          %or3A_246 = arith.constant false
          %or3A_247 = arith.ori %or3A_245, %or3A_246 : i1
          %or3A_248 = arith.constant false
          %or3A_249 = arith.ori %or3A_247, %or3A_248 : i1
          %or3A_250 = arith.ori %or3A_249, %eq3A_158 : i1
          %convert_element_type3A_251 = arith.extui %or3A_250 : i1 to i32
          %cond3A_252 = arith.constant 0 : i32
          %cond3A_253 = arith.cmpi ne, %convert_element_type3A_251, %cond3A_252 : i32
          scf.if %cond3A_253 {
          } else {
          }
          %and3A_254 = arith.constant false
          %and3A_255 = arith.andi %or3A_250, %and3A_254 : i1
          %ne3A_256 = arith.cmpi ne, %add3A_159, %add3A_177 : i32
          %or3A_257 = arith.constant false
          %or3A_258 = arith.ori %or3A_257, %ne3A_256 : i1
          %or3A_259 = arith.constant false
          %or3A_260 = arith.ori %or3A_258, %or3A_259 : i1
          %or3A_261 = arith.ori %or3A_260, %eq3A_158 : i1
          %convert_element_type3A_262 = arith.extui %or3A_261 : i1 to i32
          %cond3A_263 = arith.constant 0 : i32
          %cond3A_264 = arith.cmpi ne, %convert_element_type3A_262, %cond3A_263 : i32
          scf.if %cond3A_264 {
            "tpu.trace_start"() <{level = 10 : i32, message = "ep_copy_out"}> : () -> ()
            %rem3A_319 = arith.constant 2 : i32
            %rem3A_320 = arith.remui %while3A_149, %rem3A_319 : i32
            %mul3A_321 = arith.constant 400 : i32
            %mul3A_322 = arith.muli %mul3A_321, %add3A_159 : i32
            %dma_start3A_323 = arith.constant 0 : i32
            %dma_start3A_324 = arith.constant 0 : i32
            %dma_start3A_325 = tpu.memref_slice %run_scoped3A_18[%rem3A_320, %dma_start3A_323, %dma_start3A_324] : memref<2x400x128xf32, #tpu.memory_space<vmem>> -> memref<1x400x128xf32, #tpu.memory_space<vmem>>
            %dma_start3A_326 = tpu.memref_squeeze %dma_start3A_325 : memref<1x400x128xf32, #tpu.memory_space<vmem>> -> memref<400x128xf32, #tpu.memory_space<vmem>>
            %dma_start3A_327 = arith.constant 0 : i32
            %dma_start3A_328 = tpu.memref_slice %arg4[%mul3A_322, %dma_start3A_327] : memref<40000x128xf32, #tpu.memory_space<hbm>> -> memref<400x128xf32, #tpu.memory_space<hbm>>
            %dma_start3A_329 = tpu.memref_slice %run_scoped3A_19[%rem3A_320] : memref<2x!tpu.dma_semaphore, #tpu.memory_space<semaphore_mem>> -> memref<1x!tpu.dma_semaphore, #tpu.memory_space<semaphore_mem>>
            %dma_start3A_330 = tpu.memref_squeeze %dma_start3A_329 : memref<1x!tpu.dma_semaphore, #tpu.memory_space<semaphore_mem>> -> memref<!tpu.dma_semaphore, #tpu.memory_space<semaphore_mem>>
            %dma_start3A_331 = arith.constant 0 : i32
            %dma_start3A_332 = tpu.memref_slice %arg4[%mul3A_322, %dma_start3A_331] : memref<40000x128xf32, #tpu.memory_space<hbm>> -> memref<400x128xf32, #tpu.memory_space<hbm>>
            %dma_start3A_333 = arith.constant 0 : i32
            %dma_start3A_334 = arith.constant 0 : i32
            %dma_start3A_335 = tpu.memref_slice %run_scoped3A_18[%rem3A_320, %dma_start3A_333, %dma_start3A_334] : memref<2x400x128xf32, #tpu.memory_space<vmem>> -> memref<1x400x128xf32, #tpu.memory_space<vmem>>
            %dma_start3A_336 = tpu.memref_squeeze %dma_start3A_335 : memref<1x400x128xf32, #tpu.memory_space<vmem>> -> memref<400x128xf32, #tpu.memory_space<vmem>>
            tpu.enqueue_dma source(%dma_start3A_336 : memref<400x128xf32, #tpu.memory_space<vmem>>) target(%dma_start3A_332 : memref<400x128xf32, #tpu.memory_space<hbm>>) target_semaphore(%dma_start3A_330 : memref<!tpu.dma_semaphore, #tpu.memory_space<semaphore_mem>>)
            "tpu.trace_stop"() : () -> ()
          } else {
          }
          %and3A_265 = arith.constant true
          %and3A_266 = arith.andi %or3A_261, %and3A_265 : i1
          %add3A_267 = arith.constant 1 : i32
          %add3A_268 = arith.addi %while3A_149, %add3A_267 : i32
          %select_n3A_269 = arith.select %and3A_266, %add3A_268, %while3A_149 : i32
          %ne3A_270 = arith.cmpi ne, %add3A_159, %add3A_169 : i32
          %or3A_271 = arith.constant false
          %or3A_272 = arith.ori %or3A_271, %ne3A_270 : i1
          %or3A_273 = arith.constant false
          %or3A_274 = arith.ori %or3A_272, %or3A_273 : i1
          %or3A_275 = arith.constant false
          %or3A_276 = arith.ori %or3A_274, %or3A_275 : i1
          %not3A_277 = arith.constant true
          %not3A_278 = arith.xori %eq3A_155, %not3A_277 : i1
          %and3A_279 = arith.andi %or3A_276, %not3A_278 : i1
          %convert_element_type3A_280 = arith.extui %and3A_279 : i1 to i32
          %cond3A_281 = arith.constant 0 : i32
          %cond3A_282 = arith.cmpi ne, %convert_element_type3A_280, %cond3A_281 : i32
          scf.if %cond3A_282 {
          } else {
          }
          %and3A_283 = arith.constant false
          %and3A_284 = arith.andi %and3A_279, %and3A_283 : i1
          %ne3A_285 = arith.cmpi ne, %add3A_159, %add3A_169 : i32
          %or3A_286 = arith.constant false
          %or3A_287 = arith.ori %or3A_286, %ne3A_285 : i1
          %or3A_288 = arith.constant false
          %or3A_289 = arith.ori %or3A_287, %or3A_288 : i1
          %not3A_290 = arith.constant true
          %not3A_291 = arith.xori %eq3A_155, %not3A_290 : i1
          %and3A_292 = arith.andi %or3A_289, %not3A_291 : i1
          %convert_element_type3A_293 = arith.extui %and3A_292 : i1 to i32
          %cond3A_294 = arith.constant 0 : i32
          %cond3A_295 = arith.cmpi ne, %convert_element_type3A_293, %cond3A_294 : i32
          scf.if %cond3A_295 {
            "tpu.trace_start"() <{level = 10 : i32, message = "ep_wait_out"}> : () -> ()
            %rem3A_319 = arith.constant 2 : i32
            %rem3A_320 = arith.remui %while3A_150, %rem3A_319 : i32
            %mul3A_321 = arith.constant 400 : i32
            %mul3A_322 = arith.muli %mul3A_321, %add3A_169 : i32
            %dma_wait3A = arith.constant 0 : i32
            %dma_wait3A_323 = arith.constant 0 : i32
            %dma_wait3A_324 = tpu.memref_slice %run_scoped3A_18[%rem3A_320, %dma_wait3A, %dma_wait3A_323] : memref<2x400x128xf32, #tpu.memory_space<vmem>> -> memref<1x400x128xf32, #tpu.memory_space<vmem>>
            %dma_wait3A_325 = tpu.memref_squeeze %dma_wait3A_324 : memref<1x400x128xf32, #tpu.memory_space<vmem>> -> memref<400x128xf32, #tpu.memory_space<vmem>>
            %dma_wait3A_326 = arith.constant 0 : i32
            %dma_wait3A_327 = tpu.memref_slice %arg4[%mul3A_322, %dma_wait3A_326] : memref<40000x128xf32, #tpu.memory_space<hbm>> -> memref<400x128xf32, #tpu.memory_space<hbm>>
            %dma_wait3A_328 = tpu.memref_slice %run_scoped3A_19[%rem3A_320] : memref<2x!tpu.dma_semaphore, #tpu.memory_space<semaphore_mem>> -> memref<1x!tpu.dma_semaphore, #tpu.memory_space<semaphore_mem>>
            %dma_wait3A_329 = tpu.memref_squeeze %dma_wait3A_328 : memref<1x!tpu.dma_semaphore, #tpu.memory_space<semaphore_mem>> -> memref<!tpu.dma_semaphore, #tpu.memory_space<semaphore_mem>>
            %dma_wait3A_330 = arith.constant 0 : i32
            %dma_wait3A_331 = tpu.memref_slice %arg4[%mul3A_322, %dma_wait3A_330] : memref<40000x128xf32, #tpu.memory_space<hbm>> -> memref<400x128xf32, #tpu.memory_space<hbm>>
            %dma_wait3A_332 = arith.constant 0 : i32
            %dma_wait3A_333 = arith.constant 0 : i32
            %dma_wait3A_334 = tpu.memref_slice %run_scoped3A_18[%rem3A_320, %dma_wait3A_332, %dma_wait3A_333] : memref<2x400x128xf32, #tpu.memory_space<vmem>> -> memref<1x400x128xf32, #tpu.memory_space<vmem>>
            %dma_wait3A_335 = tpu.memref_squeeze %dma_wait3A_334 : memref<1x400x128xf32, #tpu.memory_space<vmem>> -> memref<400x128xf32, #tpu.memory_space<vmem>>
            tpu.wait_dma2 semaphore(%dma_wait3A_329 : memref<!tpu.dma_semaphore, #tpu.memory_space<semaphore_mem>>) src(%dma_wait3A_335 : memref<400x128xf32, #tpu.memory_space<vmem>>) dst(%dma_wait3A_331 : memref<400x128xf32, #tpu.memory_space<hbm>>)
            "tpu.trace_stop"() : () -> ()
          } else {
          }
          %and3A_296 = arith.constant true
          %and3A_297 = arith.andi %and3A_292, %and3A_296 : i1
          %add3A_298 = arith.constant 1 : i32
          %add3A_299 = arith.addi %while3A_150, %add3A_298 : i32
          %select_n3A_300 = arith.select %and3A_297, %add3A_299, %while3A_150 : i32
          %ne3A_301 = arith.cmpi ne, %add3A_159, %add3A_177 : i32
          %or3A_302 = arith.constant false
          %or3A_303 = arith.ori %or3A_302, %ne3A_301 : i1
          %or3A_304 = arith.constant false
          %or3A_305 = arith.ori %or3A_303, %or3A_304 : i1
          %or3A_306 = arith.constant false
          %or3A_307 = arith.ori %or3A_305, %or3A_306 : i1
          %or3A_308 = arith.ori %or3A_307, %eq3A_158 : i1
          %add3A_309 = arith.constant 1 : i32
          %add3A_310 = arith.addi %while3A_148, %add3A_309 : i32
          %select_n3A_311 = arith.select %or3A_308, %add3A_310, %while3A_148 : i32
          %add3A_312 = arith.constant 1 : i32
          %add3A_313 = arith.addi %while3A_151, %add3A_312 : i32
          %select_n3A_314 = arith.constant true
          %select_n3A_315 = arith.select %select_n3A_314, %add3A_313, %while3A_151 : i32
          %eq3A_316 = arith.cmpi eq, %select_n3A_315, %select_n3A : i32
          %select_n3A_317 = arith.constant 0 : i32
          %select_n3A_318 = arith.select %eq3A_316, %select_n3A_317, %select_n3A_315 : i32
          scf.yield %select_n3A_203, %select_n3A_311, %select_n3A_269, %select_n3A_300, %select_n3A_318 : i32, i32, i32, i32, i32
        }
        %while3A_93 = arith.constant 1 : i32
        %while3A_94:5 = scf.for %while3A_146 = %while3A_90 to %while3A_86 step %while3A_93 iter_args(%while3A_147 = %while3A_92#0, %while3A_148 = %while3A_92#1, %while3A_149 = %while3A_92#2, %while3A_150 = %while3A_92#3, %while3A_151 = %while3A_92#4) -> (i32, i32, i32, i32, i32)  : i32 {
          %mul3A_152 = arith.constant 1 : i32
          %mul3A_153 = arith.muli %mul3A_152, %select_n3A : i32
          %eq3A_154 = arith.constant 0 : i32
          %eq3A_155 = arith.cmpi eq, %while3A_146, %eq3A_154 : i32
          %sub3A_156 = arith.constant 1 : i32
          %sub3A_157 = arith.subi %mul3A_153, %sub3A_156 : i32
          %eq3A_158 = arith.cmpi eq, %while3A_146, %sub3A_157 : i32
          %add3A_159 = arith.addi %while3A_151, %select_n3A_14 : i32
          %sub3A_160 = arith.constant 1 : i32
          %sub3A_161 = arith.subi %while3A_151, %sub3A_160 : i32
          %select_n3A_162 = arith.constant true
          %select_n3A_163 = arith.select %select_n3A_162, %sub3A_161, %while3A_151 : i32
          %eq3A_164 = arith.constant -1 : i32
          %eq3A_165 = arith.cmpi eq, %select_n3A_163, %eq3A_164 : i32
          %sub3A_166 = arith.constant 1 : i32
          %sub3A_167 = arith.subi %select_n3A, %sub3A_166 : i32
          %select_n3A_168 = arith.select %eq3A_165, %sub3A_167, %select_n3A_163 : i32
          %add3A_169 = arith.addi %select_n3A_168, %select_n3A_14 : i32
          %add3A_170 = arith.constant 1 : i32
          %add3A_171 = arith.addi %while3A_151, %add3A_170 : i32
          %select_n3A_172 = arith.constant true
          %select_n3A_173 = arith.select %select_n3A_172, %add3A_171, %while3A_151 : i32
          %eq3A_174 = arith.cmpi eq, %select_n3A_173, %select_n3A : i32
          %select_n3A_175 = arith.constant 0 : i32
          %select_n3A_176 = arith.select %eq3A_174, %select_n3A_175, %select_n3A_173 : i32
          %add3A_177 = arith.addi %select_n3A_176, %select_n3A_14 : i32
          %add3A_178 = arith.constant 1 : i32
          %add3A_179 = arith.addi %select_n3A_176, %add3A_178 : i32
          %select_n3A_180 = arith.constant true
          %select_n3A_181 = arith.select %select_n3A_180, %add3A_179, %select_n3A_176 : i32
          %eq3A_182 = arith.cmpi eq, %select_n3A_181, %select_n3A : i32
          %select_n3A_183 = arith.constant 0 : i32
          %select_n3A_184 = arith.select %eq3A_182, %select_n3A_183, %select_n3A_181 : i32
          %add3A_185 = arith.addi %select_n3A_184, %select_n3A_14 : i32
          %ne3A = arith.cmpi ne, %add3A_159, %add3A_177 : i32
          %or3A = arith.constant false
          %or3A_186 = arith.ori %or3A, %ne3A : i1
          %or3A_187 = arith.constant false
          %or3A_188 = arith.ori %or3A_186, %or3A_187 : i1
          %or3A_189 = arith.constant false
          %or3A_190 = arith.ori %or3A_188, %or3A_189 : i1
          %sub3A_191 = arith.constant 2 : i32
          %sub3A_192 = arith.subi %mul3A_153, %sub3A_191 : i32
          %add3A_193 = arith.constant 1 : i32
          %add3A_194 = arith.addi %sub3A_192, %add3A_193 : i32
          %ge3A = arith.cmpi sge, %while3A_146, %add3A_194 : i32
          %not3A = arith.constant true
          %not3A_195 = arith.xori %ge3A, %not3A : i1
          %and3A = arith.andi %or3A_190, %not3A_195 : i1
          %convert_element_type3A_196 = arith.extui %and3A : i1 to i32
          %cond3A_197 = arith.constant 0 : i32
          %cond3A_198 = arith.cmpi ne, %convert_element_type3A_196, %cond3A_197 : i32
          scf.if %cond3A_198 {
            "tpu.trace_start"() <{level = 10 : i32, message = "ep_copy_in"}> : () -> ()
            %rem3A_319 = arith.constant 2 : i32
            %rem3A_320 = arith.remui %while3A_147, %rem3A_319 : i32
            %mul3A_321 = arith.constant 1 : i32
            %mul3A_322 = arith.muli %mul3A_321, %add3A_177 : i32
            %dma_start3A_323 = arith.constant 0 : i32
            %dma_start3A_324 = arith.constant 0 : i32
            %dma_start3A_325 = arith.constant 0 : i32
            %dma_start3A_326 = tpu.memref_slice %run_scoped3A[%rem3A_320, %dma_start3A_323, %dma_start3A_324, %dma_start3A_325] : memref<2x1x1x400xi32, #tpu.memory_space<vmem>> -> memref<1x1x1x400xi32, #tpu.memory_space<vmem>>
            %dma_start3A_327 = tpu.memref_squeeze %dma_start3A_326 : memref<1x1x1x400xi32, #tpu.memory_space<vmem>> -> memref<1x1x400xi32, #tpu.memory_space<vmem>>
            %dma_start3A_328 = arith.constant 0 : i32
            %dma_start3A_329 = arith.constant 0 : i32
            %dma_start3A_330 = tpu.memref_slice %arg3[%mul3A_322, %dma_start3A_328, %dma_start3A_329] : memref<100x1x400xi32, #tpu.memory_space<hbm>> -> memref<1x1x400xi32, #tpu.memory_space<hbm>>
            %dma_start3A_331 = tpu.memref_slice %run_scoped3A_17[%rem3A_320] : memref<2x!tpu.dma_semaphore, #tpu.memory_space<semaphore_mem>> -> memref<1x!tpu.dma_semaphore, #tpu.memory_space<semaphore_mem>>
            %dma_start3A_332 = tpu.memref_squeeze %dma_start3A_331 : memref<1x!tpu.dma_semaphore, #tpu.memory_space<semaphore_mem>> -> memref<!tpu.dma_semaphore, #tpu.memory_space<semaphore_mem>>
            %dma_start3A_333 = arith.constant 0 : i32
            %dma_start3A_334 = arith.constant 0 : i32
            %dma_start3A_335 = arith.constant 0 : i32
            %dma_start3A_336 = tpu.memref_slice %run_scoped3A[%rem3A_320, %dma_start3A_333, %dma_start3A_334, %dma_start3A_335] : memref<2x1x1x400xi32, #tpu.memory_space<vmem>> -> memref<1x1x1x400xi32, #tpu.memory_space<vmem>>
            %dma_start3A_337 = tpu.memref_squeeze %dma_start3A_336 : memref<1x1x1x400xi32, #tpu.memory_space<vmem>> -> memref<1x1x400xi32, #tpu.memory_space<vmem>>
            %dma_start3A_338 = arith.constant 0 : i32
            %dma_start3A_339 = arith.constant 0 : i32
            %dma_start3A_340 = tpu.memref_slice %arg3[%mul3A_322, %dma_start3A_338, %dma_start3A_339] : memref<100x1x400xi32, #tpu.memory_space<hbm>> -> memref<1x1x400xi32, #tpu.memory_space<hbm>>
            tpu.enqueue_dma source(%dma_start3A_340 : memref<1x1x400xi32, #tpu.memory_space<hbm>>) target(%dma_start3A_337 : memref<1x1x400xi32, #tpu.memory_space<vmem>>) target_semaphore(%dma_start3A_332 : memref<!tpu.dma_semaphore, #tpu.memory_space<semaphore_mem>>)
            "tpu.trace_stop"() : () -> ()
          } else {
          }
          %and3A_199 = arith.constant true
          %and3A_200 = arith.andi %and3A, %and3A_199 : i1
          %add3A_201 = arith.constant 1 : i32
          %add3A_202 = arith.addi %while3A_147, %add3A_201 : i32
          %select_n3A_203 = arith.select %and3A_200, %add3A_202, %while3A_147 : i32
          %ne3A_204 = arith.cmpi ne, %add3A_159, %add3A_177 : i32
          %or3A_205 = arith.constant false
          %or3A_206 = arith.ori %or3A_205, %ne3A_204 : i1
          %or3A_207 = arith.constant false
          %or3A_208 = arith.ori %or3A_206, %or3A_207 : i1
          %sub3A_209 = arith.constant 2 : i32
          %sub3A_210 = arith.subi %mul3A_153, %sub3A_209 : i32
          %add3A_211 = arith.constant 1 : i32
          %add3A_212 = arith.addi %sub3A_210, %add3A_211 : i32
          %ge3A_213 = arith.cmpi sge, %while3A_146, %add3A_212 : i32
          %not3A_214 = arith.constant true
          %not3A_215 = arith.xori %ge3A_213, %not3A_214 : i1
          %and3A_216 = arith.andi %or3A_208, %not3A_215 : i1
          %ne3A_217 = arith.cmpi ne, %add3A_159, %add3A_169 : i32
          %or3A_218 = arith.constant false
          %or3A_219 = arith.ori %or3A_218, %ne3A_217 : i1
          %or3A_220 = arith.constant false
          %or3A_221 = arith.ori %or3A_219, %or3A_220 : i1
          %or3A_222 = arith.constant false
          %or3A_223 = arith.ori %or3A_221, %or3A_222 : i1
          %or3A_224 = arith.ori %or3A_223, %eq3A_155 : i1
          %convert_element_type3A_225 = arith.extui %or3A_224 : i1 to i32
          %cond3A_226 = arith.constant 0 : i32
          %cond3A_227 = arith.cmpi ne, %convert_element_type3A_225, %cond3A_226 : i32
          scf.if %cond3A_227 {
            "tpu.trace_start"() <{level = 10 : i32, message = "ep_wait_in"}> : () -> ()
            %mul3A_319 = arith.constant 1 : i32
            %mul3A_320 = arith.muli %mul3A_319, %add3A_159 : i32
            %rem3A_321 = arith.constant 2 : i32
            %rem3A_322 = arith.remui %while3A_148, %rem3A_321 : i32
            %dma_wait3A = arith.constant 0 : i32
            %dma_wait3A_323 = arith.constant 0 : i32
            %dma_wait3A_324 = arith.constant 0 : i32
            %dma_wait3A_325 = tpu.memref_slice %run_scoped3A[%rem3A_322, %dma_wait3A, %dma_wait3A_323, %dma_wait3A_324] : memref<2x1x1x400xi32, #tpu.memory_space<vmem>> -> memref<1x1x1x400xi32, #tpu.memory_space<vmem>>
            %dma_wait3A_326 = tpu.memref_squeeze %dma_wait3A_325 : memref<1x1x1x400xi32, #tpu.memory_space<vmem>> -> memref<1x1x400xi32, #tpu.memory_space<vmem>>
            %dma_wait3A_327 = arith.constant 0 : i32
            %dma_wait3A_328 = arith.constant 0 : i32
            %dma_wait3A_329 = tpu.memref_slice %arg3[%mul3A_320, %dma_wait3A_327, %dma_wait3A_328] : memref<100x1x400xi32, #tpu.memory_space<hbm>> -> memref<1x1x400xi32, #tpu.memory_space<hbm>>
            %dma_wait3A_330 = tpu.memref_slice %run_scoped3A_17[%rem3A_322] : memref<2x!tpu.dma_semaphore, #tpu.memory_space<semaphore_mem>> -> memref<1x!tpu.dma_semaphore, #tpu.memory_space<semaphore_mem>>
            %dma_wait3A_331 = tpu.memref_squeeze %dma_wait3A_330 : memref<1x!tpu.dma_semaphore, #tpu.memory_space<semaphore_mem>> -> memref<!tpu.dma_semaphore, #tpu.memory_space<semaphore_mem>>
            %dma_wait3A_332 = arith.constant 0 : i32
            %dma_wait3A_333 = arith.constant 0 : i32
            %dma_wait3A_334 = arith.constant 0 : i32
            %dma_wait3A_335 = tpu.memref_slice %run_scoped3A[%rem3A_322, %dma_wait3A_332, %dma_wait3A_333, %dma_wait3A_334] : memref<2x1x1x400xi32, #tpu.memory_space<vmem>> -> memref<1x1x1x400xi32, #tpu.memory_space<vmem>>
            %dma_wait3A_336 = tpu.memref_squeeze %dma_wait3A_335 : memref<1x1x1x400xi32, #tpu.memory_space<vmem>> -> memref<1x1x400xi32, #tpu.memory_space<vmem>>
            %dma_wait3A_337 = arith.constant 0 : i32
            %dma_wait3A_338 = arith.constant 0 : i32
            %dma_wait3A_339 = tpu.memref_slice %arg3[%mul3A_320, %dma_wait3A_337, %dma_wait3A_338] : memref<100x1x400xi32, #tpu.memory_space<hbm>> -> memref<1x1x400xi32, #tpu.memory_space<hbm>>
            tpu.wait_dma2 semaphore(%dma_wait3A_331 : memref<!tpu.dma_semaphore, #tpu.memory_space<semaphore_mem>>) src(%dma_wait3A_339 : memref<1x1x400xi32, #tpu.memory_space<hbm>>) dst(%dma_wait3A_336 : memref<1x1x400xi32, #tpu.memory_space<vmem>>)
            "tpu.trace_stop"() : () -> ()
          } else {
          }
          %ne3A_228 = arith.cmpi ne, %add3A_159, %add3A_169 : i32
          %or3A_229 = arith.constant false
          %or3A_230 = arith.ori %or3A_229, %ne3A_228 : i1
          %or3A_231 = arith.constant false
          %or3A_232 = arith.ori %or3A_230, %or3A_231 : i1
          %or3A_233 = arith.ori %or3A_232, %eq3A_155 : i1
          %convert_element_type3A_234 = arith.extui %or3A_233 : i1 to i32
          %cond3A_235 = arith.constant 0 : i32
          %cond3A_236 = arith.cmpi ne, %convert_element_type3A_234, %cond3A_235 : i32
          scf.if %cond3A_236 {
          } else {
          }
          %rem3A_237 = arith.constant 2 : i32
          %rem3A_238 = arith.remui %while3A_148, %rem3A_237 : i32
          %rem3A_239 = arith.constant 2 : i32
          %rem3A_240 = arith.remui %while3A_149, %rem3A_239 : i32
          %run_scoped3A_241 = arith.constant 0 : i32
          %run_scoped3A_242 = arith.constant 0 : i32
          "tpu.trace_start"() <{level = 10 : i32, message = "ep_run_kernel"}> : () -> ()
          "tpu.region"() ({
            %run_scoped3A_319 = tpu.sem_alloc : memref<!tpu.dma_semaphore, #tpu.memory_space<semaphore_mem>>
            %dma_start3A_320 = arith.constant 0 : i32
            %dma_start3A_321 = arith.constant 0 : i32
            %dma_start3A_322 = tpu.memref_slice %run_scoped3A_18[%rem3A_240, %dma_start3A_320, %dma_start3A_321] : memref<2x400x128xf32, #tpu.memory_space<vmem>> -> memref<1x400x128xf32, #tpu.memory_space<vmem>>
            %dma_start3A_323 = tpu.memref_squeeze %dma_start3A_322 : memref<1x400x128xf32, #tpu.memory_space<vmem>> -> memref<400x128xf32, #tpu.memory_space<vmem>>
            %dma_start3A_324 = arith.constant 0 : i32
            %dma_start3A_325 = arith.constant 0 : i32
            %dma_start3A_326 = arith.constant 0 : i32
            %dma_start3A_327 = tpu.memref_slice %run_scoped3A[%rem3A_238, %dma_start3A_324, %dma_start3A_325, %dma_start3A_326] : memref<2x1x1x400xi32, #tpu.memory_space<vmem>> -> memref<1x1x1x400xi32, #tpu.memory_space<vmem>>
            %dma_start3A_328 = tpu.memref_squeeze %dma_start3A_327 : memref<1x1x1x400xi32, #tpu.memory_space<vmem>> -> memref<1x1x400xi32, #tpu.memory_space<vmem>>
            %dma_start3A_329 = arith.constant 0 : i32
            %dma_start3A_330 = tpu.memref_slice %dma_start3A_328[%run_scoped3A_241, %run_scoped3A_242, %dma_start3A_329] : memref<1x1x400xi32, #tpu.memory_space<vmem>> -> memref<1x1x400xi32, #tpu.memory_space<vmem>>
            %dma_start3A_331 = tpu.memref_squeeze %dma_start3A_330 : memref<1x1x400xi32, #tpu.memory_space<vmem>> -> memref<400xi32, #tpu.memory_space<vmem>>
            %dma_start3A_332 = arith.constant 0 : i32
            %dma_start3A_333 = arith.constant 0 : i32
            %dma_start3A_334 = tpu.memref_slice %arg2[%dma_start3A_332, %dma_start3A_333] : memref<50000x128xf32, #tpu.memory_space<hbm>> -> memref<50000x128xf32, #tpu.memory_space<hbm>>
            tpu.enqueue_indirect_dma source(%dma_start3A_334 : memref<50000x128xf32, #tpu.memory_space<hbm>>) target(%dma_start3A_323 : memref<400x128xf32, #tpu.memory_space<vmem>>) offsets(%dma_start3A_331 : memref<400xi32, #tpu.memory_space<vmem>>) semaphore(%run_scoped3A_319 : memref<!tpu.dma_semaphore, #tpu.memory_space<semaphore_mem>>)
            %dma_wait3A = arith.constant 0 : i32
            %dma_wait3A_335 = arith.constant 0 : i32
            %dma_wait3A_336 = tpu.memref_slice %run_scoped3A_18[%rem3A_240, %dma_wait3A, %dma_wait3A_335] : memref<2x400x128xf32, #tpu.memory_space<vmem>> -> memref<1x400x128xf32, #tpu.memory_space<vmem>>
            %dma_wait3A_337 = tpu.memref_squeeze %dma_wait3A_336 : memref<1x400x128xf32, #tpu.memory_space<vmem>> -> memref<400x128xf32, #tpu.memory_space<vmem>>
            %dma_wait3A_338 = arith.constant 0 : i32
            %dma_wait3A_339 = arith.constant 0 : i32
            %dma_wait3A_340 = arith.constant 0 : i32
            %dma_wait3A_341 = tpu.memref_slice %run_scoped3A[%rem3A_238, %dma_wait3A_338, %dma_wait3A_339, %dma_wait3A_340] : memref<2x1x1x400xi32, #tpu.memory_space<vmem>> -> memref<1x1x1x400xi32, #tpu.memory_space<vmem>>
            %dma_wait3A_342 = tpu.memref_squeeze %dma_wait3A_341 : memref<1x1x1x400xi32, #tpu.memory_space<vmem>> -> memref<1x1x400xi32, #tpu.memory_space<vmem>>
            %dma_wait3A_343 = arith.constant 0 : i32
            %dma_wait3A_344 = tpu.memref_slice %dma_wait3A_342[%run_scoped3A_241, %run_scoped3A_242, %dma_wait3A_343] : memref<1x1x400xi32, #tpu.memory_space<vmem>> -> memref<1x1x400xi32, #tpu.memory_space<vmem>>
            %dma_wait3A_345 = tpu.memref_squeeze %dma_wait3A_344 : memref<1x1x400xi32, #tpu.memory_space<vmem>> -> memref<400xi32, #tpu.memory_space<vmem>>
            %dma_wait3A_346 = arith.constant 0 : i32
            %dma_wait3A_347 = arith.constant 0 : i32
            %dma_wait3A_348 = tpu.memref_slice %arg2[%dma_wait3A_346, %dma_wait3A_347] : memref<50000x128xf32, #tpu.memory_space<hbm>> -> memref<50000x128xf32, #tpu.memory_space<hbm>>
            tpu.wait_indirect_dma semaphore(%run_scoped3A_319 : memref<!tpu.dma_semaphore, #tpu.memory_space<semaphore_mem>>) src(%dma_wait3A_348 : memref<50000x128xf32, #tpu.memory_space<hbm>>) dst(%dma_wait3A_337 : memref<400x128xf32, #tpu.memory_space<vmem>>)
            tpu.yield
          }) : () -> ()
          "tpu.trace_stop"() : () -> ()
          %ne3A_243 = arith.cmpi ne, %add3A_159, %add3A_177 : i32
          %or3A_244 = arith.constant false
          %or3A_245 = arith.ori %or3A_244, %ne3A_243 : i1
          %or3A_246 = arith.constant false
          %or3A_247 = arith.ori %or3A_245, %or3A_246 : i1
          %or3A_248 = arith.constant false
          %or3A_249 = arith.ori %or3A_247, %or3A_248 : i1
          %or3A_250 = arith.ori %or3A_249, %eq3A_158 : i1
          %convert_element_type3A_251 = arith.extui %or3A_250 : i1 to i32
          %cond3A_252 = arith.constant 0 : i32
          %cond3A_253 = arith.cmpi ne, %convert_element_type3A_251, %cond3A_252 : i32
          scf.if %cond3A_253 {
          } else {
          }
          %and3A_254 = arith.constant false
          %and3A_255 = arith.andi %or3A_250, %and3A_254 : i1
          %ne3A_256 = arith.cmpi ne, %add3A_159, %add3A_177 : i32
          %or3A_257 = arith.constant false
          %or3A_258 = arith.ori %or3A_257, %ne3A_256 : i1
          %or3A_259 = arith.constant false
          %or3A_260 = arith.ori %or3A_258, %or3A_259 : i1
          %or3A_261 = arith.ori %or3A_260, %eq3A_158 : i1
          %convert_element_type3A_262 = arith.extui %or3A_261 : i1 to i32
          %cond3A_263 = arith.constant 0 : i32
          %cond3A_264 = arith.cmpi ne, %convert_element_type3A_262, %cond3A_263 : i32
          scf.if %cond3A_264 {
            "tpu.trace_start"() <{level = 10 : i32, message = "ep_copy_out"}> : () -> ()
            %rem3A_319 = arith.constant 2 : i32
            %rem3A_320 = arith.remui %while3A_149, %rem3A_319 : i32
            %mul3A_321 = arith.constant 400 : i32
            %mul3A_322 = arith.muli %mul3A_321, %add3A_159 : i32
            %dma_start3A_323 = arith.constant 0 : i32
            %dma_start3A_324 = arith.constant 0 : i32
            %dma_start3A_325 = tpu.memref_slice %run_scoped3A_18[%rem3A_320, %dma_start3A_323, %dma_start3A_324] : memref<2x400x128xf32, #tpu.memory_space<vmem>> -> memref<1x400x128xf32, #tpu.memory_space<vmem>>
            %dma_start3A_326 = tpu.memref_squeeze %dma_start3A_325 : memref<1x400x128xf32, #tpu.memory_space<vmem>> -> memref<400x128xf32, #tpu.memory_space<vmem>>
            %dma_start3A_327 = arith.constant 0 : i32
            %dma_start3A_328 = tpu.memref_slice %arg4[%mul3A_322, %dma_start3A_327] : memref<40000x128xf32, #tpu.memory_space<hbm>> -> memref<400x128xf32, #tpu.memory_space<hbm>>
            %dma_start3A_329 = tpu.memref_slice %run_scoped3A_19[%rem3A_320] : memref<2x!tpu.dma_semaphore, #tpu.memory_space<semaphore_mem>> -> memref<1x!tpu.dma_semaphore, #tpu.memory_space<semaphore_mem>>
            %dma_start3A_330 = tpu.memref_squeeze %dma_start3A_329 : memref<1x!tpu.dma_semaphore, #tpu.memory_space<semaphore_mem>> -> memref<!tpu.dma_semaphore, #tpu.memory_space<semaphore_mem>>
            %dma_start3A_331 = arith.constant 0 : i32
            %dma_start3A_332 = tpu.memref_slice %arg4[%mul3A_322, %dma_start3A_331] : memref<40000x128xf32, #tpu.memory_space<hbm>> -> memref<400x128xf32, #tpu.memory_space<hbm>>
            %dma_start3A_333 = arith.constant 0 : i32
            %dma_start3A_334 = arith.constant 0 : i32
            %dma_start3A_335 = tpu.memref_slice %run_scoped3A_18[%rem3A_320, %dma_start3A_333, %dma_start3A_334] : memref<2x400x128xf32, #tpu.memory_space<vmem>> -> memref<1x400x128xf32, #tpu.memory_space<vmem>>
            %dma_start3A_336 = tpu.memref_squeeze %dma_start3A_335 : memref<1x400x128xf32, #tpu.memory_space<vmem>> -> memref<400x128xf32, #tpu.memory_space<vmem>>
            tpu.enqueue_dma source(%dma_start3A_336 : memref<400x128xf32, #tpu.memory_space<vmem>>) target(%dma_start3A_332 : memref<400x128xf32, #tpu.memory_space<hbm>>) target_semaphore(%dma_start3A_330 : memref<!tpu.dma_semaphore, #tpu.memory_space<semaphore_mem>>)
            "tpu.trace_stop"() : () -> ()
          } else {
          }
          %and3A_265 = arith.constant true
          %and3A_266 = arith.andi %or3A_261, %and3A_265 : i1
          %add3A_267 = arith.constant 1 : i32
          %add3A_268 = arith.addi %while3A_149, %add3A_267 : i32
          %select_n3A_269 = arith.select %and3A_266, %add3A_268, %while3A_149 : i32
          %ne3A_270 = arith.cmpi ne, %add3A_159, %add3A_169 : i32
          %or3A_271 = arith.constant false
          %or3A_272 = arith.ori %or3A_271, %ne3A_270 : i1
          %or3A_273 = arith.constant false
          %or3A_274 = arith.ori %or3A_272, %or3A_273 : i1
          %or3A_275 = arith.constant false
          %or3A_276 = arith.ori %or3A_274, %or3A_275 : i1
          %not3A_277 = arith.constant true
          %not3A_278 = arith.xori %eq3A_155, %not3A_277 : i1
          %and3A_279 = arith.andi %or3A_276, %not3A_278 : i1
          %convert_element_type3A_280 = arith.extui %and3A_279 : i1 to i32
          %cond3A_281 = arith.constant 0 : i32
          %cond3A_282 = arith.cmpi ne, %convert_element_type3A_280, %cond3A_281 : i32
          scf.if %cond3A_282 {
          } else {
          }
          %and3A_283 = arith.constant false
          %and3A_284 = arith.andi %and3A_279, %and3A_283 : i1
          %ne3A_285 = arith.cmpi ne, %add3A_159, %add3A_169 : i32
          %or3A_286 = arith.constant false
          %or3A_287 = arith.ori %or3A_286, %ne3A_285 : i1
          %or3A_288 = arith.constant false
          %or3A_289 = arith.ori %or3A_287, %or3A_288 : i1
          %not3A_290 = arith.constant true
          %not3A_291 = arith.xori %eq3A_155, %not3A_290 : i1
          %and3A_292 = arith.andi %or3A_289, %not3A_291 : i1
          %convert_element_type3A_293 = arith.extui %and3A_292 : i1 to i32
          %cond3A_294 = arith.constant 0 : i32
          %cond3A_295 = arith.cmpi ne, %convert_element_type3A_293, %cond3A_294 : i32
          scf.if %cond3A_295 {
            "tpu.trace_start"() <{level = 10 : i32, message = "ep_wait_out"}> : () -> ()
            %rem3A_319 = arith.constant 2 : i32
            %rem3A_320 = arith.remui %while3A_150, %rem3A_319 : i32
            %mul3A_321 = arith.constant 400 : i32
            %mul3A_322 = arith.muli %mul3A_321, %add3A_169 : i32
            %dma_wait3A = arith.constant 0 : i32
            %dma_wait3A_323 = arith.constant 0 : i32
            %dma_wait3A_324 = tpu.memref_slice %run_scoped3A_18[%rem3A_320, %dma_wait3A, %dma_wait3A_323] : memref<2x400x128xf32, #tpu.memory_space<vmem>> -> memref<1x400x128xf32, #tpu.memory_space<vmem>>
            %dma_wait3A_325 = tpu.memref_squeeze %dma_wait3A_324 : memref<1x400x128xf32, #tpu.memory_space<vmem>> -> memref<400x128xf32, #tpu.memory_space<vmem>>
            %dma_wait3A_326 = arith.constant 0 : i32
            %dma_wait3A_327 = tpu.memref_slice %arg4[%mul3A_322, %dma_wait3A_326] : memref<40000x128xf32, #tpu.memory_space<hbm>> -> memref<400x128xf32, #tpu.memory_space<hbm>>
            %dma_wait3A_328 = tpu.memref_slice %run_scoped3A_19[%rem3A_320] : memref<2x!tpu.dma_semaphore, #tpu.memory_space<semaphore_mem>> -> memref<1x!tpu.dma_semaphore, #tpu.memory_space<semaphore_mem>>
            %dma_wait3A_329 = tpu.memref_squeeze %dma_wait3A_328 : memref<1x!tpu.dma_semaphore, #tpu.memory_space<semaphore_mem>> -> memref<!tpu.dma_semaphore, #tpu.memory_space<semaphore_mem>>
            %dma_wait3A_330 = arith.constant 0 : i32
            %dma_wait3A_331 = tpu.memref_slice %arg4[%mul3A_322, %dma_wait3A_330] : memref<40000x128xf32, #tpu.memory_space<hbm>> -> memref<400x128xf32, #tpu.memory_space<hbm>>
            %dma_wait3A_332 = arith.constant 0 : i32
            %dma_wait3A_333 = arith.constant 0 : i32
            %dma_wait3A_334 = tpu.memref_slice %run_scoped3A_18[%rem3A_320, %dma_wait3A_332, %dma_wait3A_333] : memref<2x400x128xf32, #tpu.memory_space<vmem>> -> memref<1x400x128xf32, #tpu.memory_space<vmem>>
            %dma_wait3A_335 = tpu.memref_squeeze %dma_wait3A_334 : memref<1x400x128xf32, #tpu.memory_space<vmem>> -> memref<400x128xf32, #tpu.memory_space<vmem>>
            tpu.wait_dma2 semaphore(%dma_wait3A_329 : memref<!tpu.dma_semaphore, #tpu.memory_space<semaphore_mem>>) src(%dma_wait3A_335 : memref<400x128xf32, #tpu.memory_space<vmem>>) dst(%dma_wait3A_331 : memref<400x128xf32, #tpu.memory_space<hbm>>)
            "tpu.trace_stop"() : () -> ()
          } else {
          }
          %and3A_296 = arith.constant true
          %and3A_297 = arith.andi %and3A_292, %and3A_296 : i1
          %add3A_298 = arith.constant 1 : i32
          %add3A_299 = arith.addi %while3A_150, %add3A_298 : i32
          %select_n3A_300 = arith.select %and3A_297, %add3A_299, %while3A_150 : i32
          %ne3A_301 = arith.cmpi ne, %add3A_159, %add3A_177 : i32
          %or3A_302 = arith.constant false
          %or3A_303 = arith.ori %or3A_302, %ne3A_301 : i1
          %or3A_304 = arith.constant false
          %or3A_305 = arith.ori %or3A_303, %or3A_304 : i1
          %or3A_306 = arith.constant false
          %or3A_307 = arith.ori %or3A_305, %or3A_306 : i1
          %or3A_308 = arith.ori %or3A_307, %eq3A_158 : i1
          %add3A_309 = arith.constant 1 : i32
          %add3A_310 = arith.addi %while3A_148, %add3A_309 : i32
          %select_n3A_311 = arith.select %or3A_308, %add3A_310, %while3A_148 : i32
          %add3A_312 = arith.constant 1 : i32
          %add3A_313 = arith.addi %while3A_151, %add3A_312 : i32
          %select_n3A_314 = arith.constant true
          %select_n3A_315 = arith.select %select_n3A_314, %add3A_313, %while3A_151 : i32
          %eq3A_316 = arith.cmpi eq, %select_n3A_315, %select_n3A : i32
          %select_n3A_317 = arith.constant 0 : i32
          %select_n3A_318 = arith.select %eq3A_316, %select_n3A_317, %select_n3A_315 : i32
          scf.yield %select_n3A_203, %select_n3A_311, %select_n3A_269, %select_n3A_300, %select_n3A_318 : i32, i32, i32, i32, i32
        }
        %sub3A_95 = arith.constant 1 : i32
        %sub3A_96 = arith.subi %while3A_94#4, %sub3A_95 : i32
        %select_n3A_97 = arith.constant true
        %select_n3A_98 = arith.select %select_n3A_97, %sub3A_96, %while3A_94#4 : i32
        %eq3A_99 = arith.constant -1 : i32
        %eq3A_100 = arith.cmpi eq, %select_n3A_98, %eq3A_99 : i32
        %sub3A_101 = arith.constant 1 : i32
        %sub3A_102 = arith.subi %select_n3A, %sub3A_101 : i32
        %select_n3A_103 = arith.select %eq3A_100, %sub3A_102, %select_n3A_98 : i32
        %sub3A_104 = arith.constant 1 : i32
        %sub3A_105 = arith.subi %mul3A_16, %sub3A_104 : i32
        %mul3A_106 = arith.constant 1 : i32
        %mul3A_107 = arith.muli %mul3A_106, %select_n3A : i32
        %eq3A_108 = arith.constant 0 : i32
        %eq3A_109 = arith.cmpi eq, %sub3A_105, %eq3A_108 : i32
        %sub3A_110 = arith.constant 1 : i32
        %sub3A_111 = arith.subi %mul3A_107, %sub3A_110 : i32
        %eq3A_112 = arith.cmpi eq, %sub3A_105, %sub3A_111 : i32
        %add3A_113 = arith.addi %select_n3A_103, %select_n3A_14 : i32
        %sub3A_114 = arith.constant 1 : i32
        %sub3A_115 = arith.subi %select_n3A_103, %sub3A_114 : i32
        %select_n3A_116 = arith.constant true
        %select_n3A_117 = arith.select %select_n3A_116, %sub3A_115, %select_n3A_103 : i32
        %eq3A_118 = arith.constant -1 : i32
        %eq3A_119 = arith.cmpi eq, %select_n3A_117, %eq3A_118 : i32
        %sub3A_120 = arith.constant 1 : i32
        %sub3A_121 = arith.subi %select_n3A, %sub3A_120 : i32
        %select_n3A_122 = arith.select %eq3A_119, %sub3A_121, %select_n3A_117 : i32
        %add3A_123 = arith.addi %select_n3A_122, %select_n3A_14 : i32
        %add3A_124 = arith.constant 1 : i32
        %add3A_125 = arith.addi %select_n3A_103, %add3A_124 : i32
        %select_n3A_126 = arith.constant true
        %select_n3A_127 = arith.select %select_n3A_126, %add3A_125, %select_n3A_103 : i32
        %eq3A_128 = arith.cmpi eq, %select_n3A_127, %select_n3A : i32
        %select_n3A_129 = arith.constant 0 : i32
        %select_n3A_130 = arith.select %eq3A_128, %select_n3A_129, %select_n3A_127 : i32
        %add3A_131 = arith.addi %select_n3A_130, %select_n3A_14 : i32
        %add3A_132 = arith.constant 1 : i32
        %add3A_133 = arith.addi %select_n3A_130, %add3A_132 : i32
        %select_n3A_134 = arith.constant true
        %select_n3A_135 = arith.select %select_n3A_134, %add3A_133, %select_n3A_130 : i32
        %eq3A_136 = arith.cmpi eq, %select_n3A_135, %select_n3A : i32
        %select_n3A_137 = arith.constant 0 : i32
        %select_n3A_138 = arith.select %eq3A_136, %select_n3A_137, %select_n3A_135 : i32
        %add3A_139 = arith.addi %select_n3A_138, %select_n3A_14 : i32
        %convert_element_type3A_140 = arith.extui %eq3A_112 : i1 to i32
        %cond3A_141 = arith.constant 0 : i32
        %cond3A_142 = arith.cmpi ne, %convert_element_type3A_140, %cond3A_141 : i32
        scf.if %cond3A_142 {
        } else {
        }
        %convert_element_type3A_143 = arith.extui %eq3A_112 : i1 to i32
        %cond3A_144 = arith.constant 0 : i32
        %cond3A_145 = arith.cmpi ne, %convert_element_type3A_143, %cond3A_144 : i32
        scf.if %cond3A_145 {
          "tpu.trace_start"() <{level = 10 : i32, message = "ep_finalize"}> : () -> ()
          %rem3A_146 = arith.constant 2 : i32
          %rem3A_147 = arith.remui %while3A_94#3, %rem3A_146 : i32
          %mul3A_148 = arith.constant 400 : i32
          %mul3A_149 = arith.muli %mul3A_148, %add3A_113 : i32
          %dma_wait3A = arith.constant 0 : i32
          %dma_wait3A_150 = arith.constant 0 : i32
          %dma_wait3A_151 = tpu.memref_slice %run_scoped3A_18[%rem3A_147, %dma_wait3A, %dma_wait3A_150] : memref<2x400x128xf32, #tpu.memory_space<vmem>> -> memref<1x400x128xf32, #tpu.memory_space<vmem>>
          %dma_wait3A_152 = tpu.memref_squeeze %dma_wait3A_151 : memref<1x400x128xf32, #tpu.memory_space<vmem>> -> memref<400x128xf32, #tpu.memory_space<vmem>>
          %dma_wait3A_153 = arith.constant 0 : i32
          %dma_wait3A_154 = tpu.memref_slice %arg4[%mul3A_149, %dma_wait3A_153] : memref<40000x128xf32, #tpu.memory_space<hbm>> -> memref<400x128xf32, #tpu.memory_space<hbm>>
          %dma_wait3A_155 = tpu.memref_slice %run_scoped3A_19[%rem3A_147] : memref<2x!tpu.dma_semaphore, #tpu.memory_space<semaphore_mem>> -> memref<1x!tpu.dma_semaphore, #tpu.memory_space<semaphore_mem>>
          %dma_wait3A_156 = tpu.memref_squeeze %dma_wait3A_155 : memref<1x!tpu.dma_semaphore, #tpu.memory_space<semaphore_mem>> -> memref<!tpu.dma_semaphore, #tpu.memory_space<semaphore_mem>>
          %dma_wait3A_157 = arith.constant 0 : i32
          %dma_wait3A_158 = tpu.memref_slice %arg4[%mul3A_149, %dma_wait3A_157] : memref<40000x128xf32, #tpu.memory_space<hbm>> -> memref<400x128xf32, #tpu.memory_space<hbm>>
          %dma_wait3A_159 = arith.constant 0 : i32
          %dma_wait3A_160 = arith.constant 0 : i32
          %dma_wait3A_161 = tpu.memref_slice %run_scoped3A_18[%rem3A_147, %dma_wait3A_159, %dma_wait3A_160] : memref<2x400x128xf32, #tpu.memory_space<vmem>> -> memref<1x400x128xf32, #tpu.memory_space<vmem>>
          %dma_wait3A_162 = tpu.memref_squeeze %dma_wait3A_161 : memref<1x400x128xf32, #tpu.memory_space<vmem>> -> memref<400x128xf32, #tpu.memory_space<vmem>>
          tpu.wait_dma2 semaphore(%dma_wait3A_156 : memref<!tpu.dma_semaphore, #tpu.memory_space<semaphore_mem>>) src(%dma_wait3A_162 : memref<400x128xf32, #tpu.memory_space<vmem>>) dst(%dma_wait3A_158 : memref<400x128xf32, #tpu.memory_space<hbm>>)
          "tpu.trace_stop"() : () -> ()
        } else {
        }
      } else {
      }
      tpu.yield
    }) : () -> ()
    return
  }
}

module attributes {stable_mosaic.version = 14 : i64} {
  func.func @body(%arg0: i32, %arg1: memref<1x2500x128xf32, #tpu.memory_space<vmem>>, %arg2: memref<1x1250x16xf32, #tpu.memory_space<vmem>>, %arg3: memref<16x16x1250x128xf32, #tpu.memory_space<any>>, %arg4: memref<1250x128xf32, #tpu.memory_space<vmem>>, %arg5: memref<16x!tpu.dma_semaphore, #tpu.memory_space<semaphore_mem>>) attributes {dimension_semantics = [#tpu.dimension_semantics<arbitrary>], iteration_bounds = array<i64: 16>, scalar_prefetch = 0 : i64, scratch_operands = 2 : i64, tpu.core_type = #tpu.core_type<tc>, window_params = [{transform_indices = @transform_0, window_bounds = array<i64: 1, 2500, 128>}, {transform_indices = @transform_1, window_bounds = array<i64: 1, 1250, 16>}, {}]} {
    %get3A = arith.constant 0 : index
    %get3A_0 = arith.constant 0 : index
    %get3A_1 = arith.constant 0 : index
    %get3A_2 = vector.load %arg1[%get3A, %get3A_0, %get3A_1] : memref<1x2500x128xf32, #tpu.memory_space<vmem>>, vector<1x2500x128xf32>
    %get3A_3 = vector.shape_cast %get3A_2 : vector<1x2500x128xf32> to vector<2500x128xf32>
    %reshape3A = vector.shape_cast %get3A_3 : vector<2500x128xf32> to vector<1250x256xf32>
    %get3A_4 = arith.constant 0 : index
    %get3A_5 = arith.constant 0 : index
    %get3A_6 = arith.constant 0 : index
    %get3A_7 = vector.load %arg2[%get3A_4, %get3A_5, %get3A_6] : memref<1x1250x16xf32, #tpu.memory_space<vmem>>, vector<1x1250x16xf32>
    %get3A_8 = vector.shape_cast %get3A_7 : vector<1x1250x16xf32> to vector<1250x16xf32>
    %slice3A = vector.extract_strided_slice %get3A_8 {offsets = [0, 0], sizes = [1250, 1], strides = [1, 1]} : vector<1250x16xf32> to vector<1250x1xf32>
    %get3A_9 = arith.constant 0 : index
    %get3A_10 = arith.constant 0 : index
    %get3A_11 = arith.constant 0 : index
    %get3A_12 = vector.load %arg2[%get3A_9, %get3A_10, %get3A_11] : memref<1x1250x16xf32, #tpu.memory_space<vmem>>, vector<1x1250x16xf32>
    %get3A_13 = vector.shape_cast %get3A_12 : vector<1x1250x16xf32> to vector<1250x16xf32>
    %slice3A_14 = vector.extract_strided_slice %get3A_13 {offsets = [0, 8], sizes = [1250, 1], strides = [1, 1]} : vector<1250x16xf32> to vector<1250x1xf32>
    %slice3A_15 = vector.extract_strided_slice %reshape3A {offsets = [0, 0], sizes = [1250, 64], strides = [1, 1]} : vector<1250x256xf32> to vector<1250x64xf32>
    %slice3A_16 = vector.extract_strided_slice %reshape3A {offsets = [0, 64], sizes = [1250, 64], strides = [1, 1]} : vector<1250x256xf32> to vector<1250x64xf32>
    %slice3A_17 = vector.extract_strided_slice %reshape3A {offsets = [0, 128], sizes = [1250, 64], strides = [1, 1]} : vector<1250x256xf32> to vector<1250x64xf32>
    %slice3A_18 = vector.extract_strided_slice %reshape3A {offsets = [0, 192], sizes = [1250, 64], strides = [1, 1]} : vector<1250x256xf32> to vector<1250x64xf32>
    %sub3A = arith.subf %slice3A_16, %slice3A_15 : vector<1250x64xf32>
    %mul3A = vector.broadcast %slice3A : vector<1250x1xf32> to vector<1250x64xf32>
    %mul3A_19 = arith.mulf %sub3A, %mul3A : vector<1250x64xf32>
    %add3A = arith.addf %slice3A_15, %mul3A_19 : vector<1250x64xf32>
    %sub3A_20 = arith.subf %slice3A_18, %slice3A_17 : vector<1250x64xf32>
    %mul3A_21 = vector.broadcast %slice3A_14 : vector<1250x1xf32> to vector<1250x64xf32>
    %mul3A_22 = arith.mulf %sub3A_20, %mul3A_21 : vector<1250x64xf32>
    %add3A_23 = arith.addf %slice3A_17, %mul3A_22 : vector<1250x64xf32>
    %concatenate3A = tpu.concatenate %add3A, %add3A_23 in 1 : vector<1250x64xf32>, vector<1250x64xf32> -> vector<1250x128xf32>
    %swap3A = arith.constant 0 : index
    %swap3A_24 = arith.constant 0 : index
    %swap3A_25 = vector.load %arg4[%swap3A, %swap3A_24] : memref<1250x128xf32, #tpu.memory_space<vmem>>, vector<1250x128xf32>
    tpu.vector_store %arg4[%swap3A, %swap3A_24], %concatenate3A {strides = array<i32>} : memref<1250x128xf32, #tpu.memory_space<vmem>>, vector<1250x128xf32>,
    %dma_start3A = arith.constant 0 : i32
    %dma_start3A_26 = arith.constant 0 : i32
    %dma_start3A_27 = tpu.memref_slice %arg5[%dma_start3A_26] : memref<16x!tpu.dma_semaphore, #tpu.memory_space<semaphore_mem>> -> memref<1x!tpu.dma_semaphore, #tpu.memory_space<semaphore_mem>>
    %dma_start3A_28 = tpu.memref_squeeze %dma_start3A_27 : memref<1x!tpu.dma_semaphore, #tpu.memory_space<semaphore_mem>> -> memref<!tpu.dma_semaphore, #tpu.memory_space<semaphore_mem>>
    %dma_start3A_29 = arith.constant 0 : i32
    %dma_start3A_30 = arith.constant 0 : i32
    %dma_start3A_31 = tpu.memref_slice %arg3[%dma_start3A, %arg0, %dma_start3A_29, %dma_start3A_30] : memref<16x16x1250x128xf32, #tpu.memory_space<any>> -> memref<1x1x1250x128xf32, #tpu.memory_space<any>>
    %dma_start3A_32 = tpu.memref_squeeze %dma_start3A_31 : memref<1x1x1250x128xf32, #tpu.memory_space<any>> -> memref<1250x128xf32, #tpu.memory_space<any>>
    tpu.enqueue_dma source(%arg4 : memref<1250x128xf32, #tpu.memory_space<vmem>>) target(%dma_start3A_32 : memref<1250x128xf32, #tpu.memory_space<any>>) target_semaphore(%dma_start3A_28 : memref<!tpu.dma_semaphore, #tpu.memory_space<semaphore_mem>>)
    %dma_start3A_33 = arith.constant 1 : i32
    %dma_start3A_34 = arith.constant 1 : i32
    %dma_start3A_35 = tpu.memref_slice %arg5[%dma_start3A_34] : memref<16x!tpu.dma_semaphore, #tpu.memory_space<semaphore_mem>> -> memref<1x!tpu.dma_semaphore, #tpu.memory_space<semaphore_mem>>
    %dma_start3A_36 = tpu.memref_squeeze %dma_start3A_35 : memref<1x!tpu.dma_semaphore, #tpu.memory_space<semaphore_mem>> -> memref<!tpu.dma_semaphore, #tpu.memory_space<semaphore_mem>>
    %dma_start3A_37 = arith.constant 0 : i32
    %dma_start3A_38 = arith.constant 0 : i32
    %dma_start3A_39 = tpu.memref_slice %arg3[%dma_start3A_33, %arg0, %dma_start3A_37, %dma_start3A_38] : memref<16x16x1250x128xf32, #tpu.memory_space<any>> -> memref<1x1x1250x128xf32, #tpu.memory_space<any>>
    %dma_start3A_40 = tpu.memref_squeeze %dma_start3A_39 : memref<1x1x1250x128xf32, #tpu.memory_space<any>> -> memref<1250x128xf32, #tpu.memory_space<any>>
    tpu.enqueue_dma source(%arg4 : memref<1250x128xf32, #tpu.memory_space<vmem>>) target(%dma_start3A_40 : memref<1250x128xf32, #tpu.memory_space<any>>) target_semaphore(%dma_start3A_36 : memref<!tpu.dma_semaphore, #tpu.memory_space<semaphore_mem>>)
    %dma_start3A_41 = arith.constant 2 : i32
    %dma_start3A_42 = arith.constant 2 : i32
    %dma_start3A_43 = tpu.memref_slice %arg5[%dma_start3A_42] : memref<16x!tpu.dma_semaphore, #tpu.memory_space<semaphore_mem>> -> memref<1x!tpu.dma_semaphore, #tpu.memory_space<semaphore_mem>>
    %dma_start3A_44 = tpu.memref_squeeze %dma_start3A_43 : memref<1x!tpu.dma_semaphore, #tpu.memory_space<semaphore_mem>> -> memref<!tpu.dma_semaphore, #tpu.memory_space<semaphore_mem>>
    %dma_start3A_45 = arith.constant 0 : i32
    %dma_start3A_46 = arith.constant 0 : i32
    %dma_start3A_47 = tpu.memref_slice %arg3[%dma_start3A_41, %arg0, %dma_start3A_45, %dma_start3A_46] : memref<16x16x1250x128xf32, #tpu.memory_space<any>> -> memref<1x1x1250x128xf32, #tpu.memory_space<any>>
    %dma_start3A_48 = tpu.memref_squeeze %dma_start3A_47 : memref<1x1x1250x128xf32, #tpu.memory_space<any>> -> memref<1250x128xf32, #tpu.memory_space<any>>
    tpu.enqueue_dma source(%arg4 : memref<1250x128xf32, #tpu.memory_space<vmem>>) target(%dma_start3A_48 : memref<1250x128xf32, #tpu.memory_space<any>>) target_semaphore(%dma_start3A_44 : memref<!tpu.dma_semaphore, #tpu.memory_space<semaphore_mem>>)
    %dma_start3A_49 = arith.constant 3 : i32
    %dma_start3A_50 = arith.constant 3 : i32
    %dma_start3A_51 = tpu.memref_slice %arg5[%dma_start3A_50] : memref<16x!tpu.dma_semaphore, #tpu.memory_space<semaphore_mem>> -> memref<1x!tpu.dma_semaphore, #tpu.memory_space<semaphore_mem>>
    %dma_start3A_52 = tpu.memref_squeeze %dma_start3A_51 : memref<1x!tpu.dma_semaphore, #tpu.memory_space<semaphore_mem>> -> memref<!tpu.dma_semaphore, #tpu.memory_space<semaphore_mem>>
    %dma_start3A_53 = arith.constant 0 : i32
    %dma_start3A_54 = arith.constant 0 : i32
    %dma_start3A_55 = tpu.memref_slice %arg3[%dma_start3A_49, %arg0, %dma_start3A_53, %dma_start3A_54] : memref<16x16x1250x128xf32, #tpu.memory_space<any>> -> memref<1x1x1250x128xf32, #tpu.memory_space<any>>
    %dma_start3A_56 = tpu.memref_squeeze %dma_start3A_55 : memref<1x1x1250x128xf32, #tpu.memory_space<any>> -> memref<1250x128xf32, #tpu.memory_space<any>>
    tpu.enqueue_dma source(%arg4 : memref<1250x128xf32, #tpu.memory_space<vmem>>) target(%dma_start3A_56 : memref<1250x128xf32, #tpu.memory_space<any>>) target_semaphore(%dma_start3A_52 : memref<!tpu.dma_semaphore, #tpu.memory_space<semaphore_mem>>)
    %dma_start3A_57 = arith.constant 4 : i32
    %dma_start3A_58 = arith.constant 4 : i32
    %dma_start3A_59 = tpu.memref_slice %arg5[%dma_start3A_58] : memref<16x!tpu.dma_semaphore, #tpu.memory_space<semaphore_mem>> -> memref<1x!tpu.dma_semaphore, #tpu.memory_space<semaphore_mem>>
    %dma_start3A_60 = tpu.memref_squeeze %dma_start3A_59 : memref<1x!tpu.dma_semaphore, #tpu.memory_space<semaphore_mem>> -> memref<!tpu.dma_semaphore, #tpu.memory_space<semaphore_mem>>
    %dma_start3A_61 = arith.constant 0 : i32
    %dma_start3A_62 = arith.constant 0 : i32
    %dma_start3A_63 = tpu.memref_slice %arg3[%dma_start3A_57, %arg0, %dma_start3A_61, %dma_start3A_62] : memref<16x16x1250x128xf32, #tpu.memory_space<any>> -> memref<1x1x1250x128xf32, #tpu.memory_space<any>>
    %dma_start3A_64 = tpu.memref_squeeze %dma_start3A_63 : memref<1x1x1250x128xf32, #tpu.memory_space<any>> -> memref<1250x128xf32, #tpu.memory_space<any>>
    tpu.enqueue_dma source(%arg4 : memref<1250x128xf32, #tpu.memory_space<vmem>>) target(%dma_start3A_64 : memref<1250x128xf32, #tpu.memory_space<any>>) target_semaphore(%dma_start3A_60 : memref<!tpu.dma_semaphore, #tpu.memory_space<semaphore_mem>>)
    %dma_start3A_65 = arith.constant 5 : i32
    %dma_start3A_66 = arith.constant 5 : i32
    %dma_start3A_67 = tpu.memref_slice %arg5[%dma_start3A_66] : memref<16x!tpu.dma_semaphore, #tpu.memory_space<semaphore_mem>> -> memref<1x!tpu.dma_semaphore, #tpu.memory_space<semaphore_mem>>
    %dma_start3A_68 = tpu.memref_squeeze %dma_start3A_67 : memref<1x!tpu.dma_semaphore, #tpu.memory_space<semaphore_mem>> -> memref<!tpu.dma_semaphore, #tpu.memory_space<semaphore_mem>>
    %dma_start3A_69 = arith.constant 0 : i32
    %dma_start3A_70 = arith.constant 0 : i32
    %dma_start3A_71 = tpu.memref_slice %arg3[%dma_start3A_65, %arg0, %dma_start3A_69, %dma_start3A_70] : memref<16x16x1250x128xf32, #tpu.memory_space<any>> -> memref<1x1x1250x128xf32, #tpu.memory_space<any>>
    %dma_start3A_72 = tpu.memref_squeeze %dma_start3A_71 : memref<1x1x1250x128xf32, #tpu.memory_space<any>> -> memref<1250x128xf32, #tpu.memory_space<any>>
    tpu.enqueue_dma source(%arg4 : memref<1250x128xf32, #tpu.memory_space<vmem>>) target(%dma_start3A_72 : memref<1250x128xf32, #tpu.memory_space<any>>) target_semaphore(%dma_start3A_68 : memref<!tpu.dma_semaphore, #tpu.memory_space<semaphore_mem>>)
    %dma_start3A_73 = arith.constant 6 : i32
    %dma_start3A_74 = arith.constant 6 : i32
    %dma_start3A_75 = tpu.memref_slice %arg5[%dma_start3A_74] : memref<16x!tpu.dma_semaphore, #tpu.memory_space<semaphore_mem>> -> memref<1x!tpu.dma_semaphore, #tpu.memory_space<semaphore_mem>>
    %dma_start3A_76 = tpu.memref_squeeze %dma_start3A_75 : memref<1x!tpu.dma_semaphore, #tpu.memory_space<semaphore_mem>> -> memref<!tpu.dma_semaphore, #tpu.memory_space<semaphore_mem>>
    %dma_start3A_77 = arith.constant 0 : i32
    %dma_start3A_78 = arith.constant 0 : i32
    %dma_start3A_79 = tpu.memref_slice %arg3[%dma_start3A_73, %arg0, %dma_start3A_77, %dma_start3A_78] : memref<16x16x1250x128xf32, #tpu.memory_space<any>> -> memref<1x1x1250x128xf32, #tpu.memory_space<any>>
    %dma_start3A_80 = tpu.memref_squeeze %dma_start3A_79 : memref<1x1x1250x128xf32, #tpu.memory_space<any>> -> memref<1250x128xf32, #tpu.memory_space<any>>
    tpu.enqueue_dma source(%arg4 : memref<1250x128xf32, #tpu.memory_space<vmem>>) target(%dma_start3A_80 : memref<1250x128xf32, #tpu.memory_space<any>>) target_semaphore(%dma_start3A_76 : memref<!tpu.dma_semaphore, #tpu.memory_space<semaphore_mem>>)
    %dma_start3A_81 = arith.constant 7 : i32
    %dma_start3A_82 = arith.constant 7 : i32
    %dma_start3A_83 = tpu.memref_slice %arg5[%dma_start3A_82] : memref<16x!tpu.dma_semaphore, #tpu.memory_space<semaphore_mem>> -> memref<1x!tpu.dma_semaphore, #tpu.memory_space<semaphore_mem>>
    %dma_start3A_84 = tpu.memref_squeeze %dma_start3A_83 : memref<1x!tpu.dma_semaphore, #tpu.memory_space<semaphore_mem>> -> memref<!tpu.dma_semaphore, #tpu.memory_space<semaphore_mem>>
    %dma_start3A_85 = arith.constant 0 : i32
    %dma_start3A_86 = arith.constant 0 : i32
    %dma_start3A_87 = tpu.memref_slice %arg3[%dma_start3A_81, %arg0, %dma_start3A_85, %dma_start3A_86] : memref<16x16x1250x128xf32, #tpu.memory_space<any>> -> memref<1x1x1250x128xf32, #tpu.memory_space<any>>
    %dma_start3A_88 = tpu.memref_squeeze %dma_start3A_87 : memref<1x1x1250x128xf32, #tpu.memory_space<any>> -> memref<1250x128xf32, #tpu.memory_space<any>>
    tpu.enqueue_dma source(%arg4 : memref<1250x128xf32, #tpu.memory_space<vmem>>) target(%dma_start3A_88 : memref<1250x128xf32, #tpu.memory_space<any>>) target_semaphore(%dma_start3A_84 : memref<!tpu.dma_semaphore, #tpu.memory_space<semaphore_mem>>)
    %dma_start3A_89 = arith.constant 8 : i32
    %dma_start3A_90 = arith.constant 8 : i32
    %dma_start3A_91 = tpu.memref_slice %arg5[%dma_start3A_90] : memref<16x!tpu.dma_semaphore, #tpu.memory_space<semaphore_mem>> -> memref<1x!tpu.dma_semaphore, #tpu.memory_space<semaphore_mem>>
    %dma_start3A_92 = tpu.memref_squeeze %dma_start3A_91 : memref<1x!tpu.dma_semaphore, #tpu.memory_space<semaphore_mem>> -> memref<!tpu.dma_semaphore, #tpu.memory_space<semaphore_mem>>
    %dma_start3A_93 = arith.constant 0 : i32
    %dma_start3A_94 = arith.constant 0 : i32
    %dma_start3A_95 = tpu.memref_slice %arg3[%dma_start3A_89, %arg0, %dma_start3A_93, %dma_start3A_94] : memref<16x16x1250x128xf32, #tpu.memory_space<any>> -> memref<1x1x1250x128xf32, #tpu.memory_space<any>>
    %dma_start3A_96 = tpu.memref_squeeze %dma_start3A_95 : memref<1x1x1250x128xf32, #tpu.memory_space<any>> -> memref<1250x128xf32, #tpu.memory_space<any>>
    tpu.enqueue_dma source(%arg4 : memref<1250x128xf32, #tpu.memory_space<vmem>>) target(%dma_start3A_96 : memref<1250x128xf32, #tpu.memory_space<any>>) target_semaphore(%dma_start3A_92 : memref<!tpu.dma_semaphore, #tpu.memory_space<semaphore_mem>>)
    %dma_start3A_97 = arith.constant 9 : i32
    %dma_start3A_98 = arith.constant 9 : i32
    %dma_start3A_99 = tpu.memref_slice %arg5[%dma_start3A_98] : memref<16x!tpu.dma_semaphore, #tpu.memory_space<semaphore_mem>> -> memref<1x!tpu.dma_semaphore, #tpu.memory_space<semaphore_mem>>
    %dma_start3A_100 = tpu.memref_squeeze %dma_start3A_99 : memref<1x!tpu.dma_semaphore, #tpu.memory_space<semaphore_mem>> -> memref<!tpu.dma_semaphore, #tpu.memory_space<semaphore_mem>>
    %dma_start3A_101 = arith.constant 0 : i32
    %dma_start3A_102 = arith.constant 0 : i32
    %dma_start3A_103 = tpu.memref_slice %arg3[%dma_start3A_97, %arg0, %dma_start3A_101, %dma_start3A_102] : memref<16x16x1250x128xf32, #tpu.memory_space<any>> -> memref<1x1x1250x128xf32, #tpu.memory_space<any>>
    %dma_start3A_104 = tpu.memref_squeeze %dma_start3A_103 : memref<1x1x1250x128xf32, #tpu.memory_space<any>> -> memref<1250x128xf32, #tpu.memory_space<any>>
    tpu.enqueue_dma source(%arg4 : memref<1250x128xf32, #tpu.memory_space<vmem>>) target(%dma_start3A_104 : memref<1250x128xf32, #tpu.memory_space<any>>) target_semaphore(%dma_start3A_100 : memref<!tpu.dma_semaphore, #tpu.memory_space<semaphore_mem>>)
    %dma_start3A_105 = arith.constant 10 : i32
    %dma_start3A_106 = arith.constant 10 : i32
    %dma_start3A_107 = tpu.memref_slice %arg5[%dma_start3A_106] : memref<16x!tpu.dma_semaphore, #tpu.memory_space<semaphore_mem>> -> memref<1x!tpu.dma_semaphore, #tpu.memory_space<semaphore_mem>>
    %dma_start3A_108 = tpu.memref_squeeze %dma_start3A_107 : memref<1x!tpu.dma_semaphore, #tpu.memory_space<semaphore_mem>> -> memref<!tpu.dma_semaphore, #tpu.memory_space<semaphore_mem>>
    %dma_start3A_109 = arith.constant 0 : i32
    %dma_start3A_110 = arith.constant 0 : i32
    %dma_start3A_111 = tpu.memref_slice %arg3[%dma_start3A_105, %arg0, %dma_start3A_109, %dma_start3A_110] : memref<16x16x1250x128xf32, #tpu.memory_space<any>> -> memref<1x1x1250x128xf32, #tpu.memory_space<any>>
    %dma_start3A_112 = tpu.memref_squeeze %dma_start3A_111 : memref<1x1x1250x128xf32, #tpu.memory_space<any>> -> memref<1250x128xf32, #tpu.memory_space<any>>
    tpu.enqueue_dma source(%arg4 : memref<1250x128xf32, #tpu.memory_space<vmem>>) target(%dma_start3A_112 : memref<1250x128xf32, #tpu.memory_space<any>>) target_semaphore(%dma_start3A_108 : memref<!tpu.dma_semaphore, #tpu.memory_space<semaphore_mem>>)
    %dma_start3A_113 = arith.constant 11 : i32
    %dma_start3A_114 = arith.constant 11 : i32
    %dma_start3A_115 = tpu.memref_slice %arg5[%dma_start3A_114] : memref<16x!tpu.dma_semaphore, #tpu.memory_space<semaphore_mem>> -> memref<1x!tpu.dma_semaphore, #tpu.memory_space<semaphore_mem>>
    %dma_start3A_116 = tpu.memref_squeeze %dma_start3A_115 : memref<1x!tpu.dma_semaphore, #tpu.memory_space<semaphore_mem>> -> memref<!tpu.dma_semaphore, #tpu.memory_space<semaphore_mem>>
    %dma_start3A_117 = arith.constant 0 : i32
    %dma_start3A_118 = arith.constant 0 : i32
    %dma_start3A_119 = tpu.memref_slice %arg3[%dma_start3A_113, %arg0, %dma_start3A_117, %dma_start3A_118] : memref<16x16x1250x128xf32, #tpu.memory_space<any>> -> memref<1x1x1250x128xf32, #tpu.memory_space<any>>
    %dma_start3A_120 = tpu.memref_squeeze %dma_start3A_119 : memref<1x1x1250x128xf32, #tpu.memory_space<any>> -> memref<1250x128xf32, #tpu.memory_space<any>>
    tpu.enqueue_dma source(%arg4 : memref<1250x128xf32, #tpu.memory_space<vmem>>) target(%dma_start3A_120 : memref<1250x128xf32, #tpu.memory_space<any>>) target_semaphore(%dma_start3A_116 : memref<!tpu.dma_semaphore, #tpu.memory_space<semaphore_mem>>)
    %dma_start3A_121 = arith.constant 12 : i32
    %dma_start3A_122 = arith.constant 12 : i32
    %dma_start3A_123 = tpu.memref_slice %arg5[%dma_start3A_122] : memref<16x!tpu.dma_semaphore, #tpu.memory_space<semaphore_mem>> -> memref<1x!tpu.dma_semaphore, #tpu.memory_space<semaphore_mem>>
    %dma_start3A_124 = tpu.memref_squeeze %dma_start3A_123 : memref<1x!tpu.dma_semaphore, #tpu.memory_space<semaphore_mem>> -> memref<!tpu.dma_semaphore, #tpu.memory_space<semaphore_mem>>
    %dma_start3A_125 = arith.constant 0 : i32
    %dma_start3A_126 = arith.constant 0 : i32
    %dma_start3A_127 = tpu.memref_slice %arg3[%dma_start3A_121, %arg0, %dma_start3A_125, %dma_start3A_126] : memref<16x16x1250x128xf32, #tpu.memory_space<any>> -> memref<1x1x1250x128xf32, #tpu.memory_space<any>>
    %dma_start3A_128 = tpu.memref_squeeze %dma_start3A_127 : memref<1x1x1250x128xf32, #tpu.memory_space<any>> -> memref<1250x128xf32, #tpu.memory_space<any>>
    tpu.enqueue_dma source(%arg4 : memref<1250x128xf32, #tpu.memory_space<vmem>>) target(%dma_start3A_128 : memref<1250x128xf32, #tpu.memory_space<any>>) target_semaphore(%dma_start3A_124 : memref<!tpu.dma_semaphore, #tpu.memory_space<semaphore_mem>>)
    %dma_start3A_129 = arith.constant 13 : i32
    %dma_start3A_130 = arith.constant 13 : i32
    %dma_start3A_131 = tpu.memref_slice %arg5[%dma_start3A_130] : memref<16x!tpu.dma_semaphore, #tpu.memory_space<semaphore_mem>> -> memref<1x!tpu.dma_semaphore, #tpu.memory_space<semaphore_mem>>
    %dma_start3A_132 = tpu.memref_squeeze %dma_start3A_131 : memref<1x!tpu.dma_semaphore, #tpu.memory_space<semaphore_mem>> -> memref<!tpu.dma_semaphore, #tpu.memory_space<semaphore_mem>>
    %dma_start3A_133 = arith.constant 0 : i32
    %dma_start3A_134 = arith.constant 0 : i32
    %dma_start3A_135 = tpu.memref_slice %arg3[%dma_start3A_129, %arg0, %dma_start3A_133, %dma_start3A_134] : memref<16x16x1250x128xf32, #tpu.memory_space<any>> -> memref<1x1x1250x128xf32, #tpu.memory_space<any>>
    %dma_start3A_136 = tpu.memref_squeeze %dma_start3A_135 : memref<1x1x1250x128xf32, #tpu.memory_space<any>> -> memref<1250x128xf32, #tpu.memory_space<any>>
    tpu.enqueue_dma source(%arg4 : memref<1250x128xf32, #tpu.memory_space<vmem>>) target(%dma_start3A_136 : memref<1250x128xf32, #tpu.memory_space<any>>) target_semaphore(%dma_start3A_132 : memref<!tpu.dma_semaphore, #tpu.memory_space<semaphore_mem>>)
    %dma_start3A_137 = arith.constant 14 : i32
    %dma_start3A_138 = arith.constant 14 : i32
    %dma_start3A_139 = tpu.memref_slice %arg5[%dma_start3A_138] : memref<16x!tpu.dma_semaphore, #tpu.memory_space<semaphore_mem>> -> memref<1x!tpu.dma_semaphore, #tpu.memory_space<semaphore_mem>>
    %dma_start3A_140 = tpu.memref_squeeze %dma_start3A_139 : memref<1x!tpu.dma_semaphore, #tpu.memory_space<semaphore_mem>> -> memref<!tpu.dma_semaphore, #tpu.memory_space<semaphore_mem>>
    %dma_start3A_141 = arith.constant 0 : i32
    %dma_start3A_142 = arith.constant 0 : i32
    %dma_start3A_143 = tpu.memref_slice %arg3[%dma_start3A_137, %arg0, %dma_start3A_141, %dma_start3A_142] : memref<16x16x1250x128xf32, #tpu.memory_space<any>> -> memref<1x1x1250x128xf32, #tpu.memory_space<any>>
    %dma_start3A_144 = tpu.memref_squeeze %dma_start3A_143 : memref<1x1x1250x128xf32, #tpu.memory_space<any>> -> memref<1250x128xf32, #tpu.memory_space<any>>
    tpu.enqueue_dma source(%arg4 : memref<1250x128xf32, #tpu.memory_space<vmem>>) target(%dma_start3A_144 : memref<1250x128xf32, #tpu.memory_space<any>>) target_semaphore(%dma_start3A_140 : memref<!tpu.dma_semaphore, #tpu.memory_space<semaphore_mem>>)
    %dma_start3A_145 = arith.constant 15 : i32
    %dma_start3A_146 = arith.constant 15 : i32
    %dma_start3A_147 = tpu.memref_slice %arg5[%dma_start3A_146] : memref<16x!tpu.dma_semaphore, #tpu.memory_space<semaphore_mem>> -> memref<1x!tpu.dma_semaphore, #tpu.memory_space<semaphore_mem>>
    %dma_start3A_148 = tpu.memref_squeeze %dma_start3A_147 : memref<1x!tpu.dma_semaphore, #tpu.memory_space<semaphore_mem>> -> memref<!tpu.dma_semaphore, #tpu.memory_space<semaphore_mem>>
    %dma_start3A_149 = arith.constant 0 : i32
    %dma_start3A_150 = arith.constant 0 : i32
    %dma_start3A_151 = tpu.memref_slice %arg3[%dma_start3A_145, %arg0, %dma_start3A_149, %dma_start3A_150] : memref<16x16x1250x128xf32, #tpu.memory_space<any>> -> memref<1x1x1250x128xf32, #tpu.memory_space<any>>
    %dma_start3A_152 = tpu.memref_squeeze %dma_start3A_151 : memref<1x1x1250x128xf32, #tpu.memory_space<any>> -> memref<1250x128xf32, #tpu.memory_space<any>>
    tpu.enqueue_dma source(%arg4 : memref<1250x128xf32, #tpu.memory_space<vmem>>) target(%dma_start3A_152 : memref<1250x128xf32, #tpu.memory_space<any>>) target_semaphore(%dma_start3A_148 : memref<!tpu.dma_semaphore, #tpu.memory_space<semaphore_mem>>)
    %dma_wait3A = arith.constant 0 : i32
    %dma_wait3A_153 = arith.constant 0 : i32
    %dma_wait3A_154 = tpu.memref_slice %arg5[%dma_wait3A_153] : memref<16x!tpu.dma_semaphore, #tpu.memory_space<semaphore_mem>> -> memref<1x!tpu.dma_semaphore, #tpu.memory_space<semaphore_mem>>
    %dma_wait3A_155 = tpu.memref_squeeze %dma_wait3A_154 : memref<1x!tpu.dma_semaphore, #tpu.memory_space<semaphore_mem>> -> memref<!tpu.dma_semaphore, #tpu.memory_space<semaphore_mem>>
    %dma_wait3A_156 = arith.constant 0 : i32
    %dma_wait3A_157 = arith.constant 0 : i32
    %dma_wait3A_158 = tpu.memref_slice %arg3[%dma_wait3A, %arg0, %dma_wait3A_156, %dma_wait3A_157] : memref<16x16x1250x128xf32, #tpu.memory_space<any>> -> memref<1x1x1250x128xf32, #tpu.memory_space<any>>
    %dma_wait3A_159 = tpu.memref_squeeze %dma_wait3A_158 : memref<1x1x1250x128xf32, #tpu.memory_space<any>> -> memref<1250x128xf32, #tpu.memory_space<any>>
    tpu.wait_dma2 semaphore(%dma_wait3A_155 : memref<!tpu.dma_semaphore, #tpu.memory_space<semaphore_mem>>) src(%arg4 : memref<1250x128xf32, #tpu.memory_space<vmem>>) dst(%dma_wait3A_159 : memref<1250x128xf32, #tpu.memory_space<any>>)
    %dma_wait3A_160 = arith.constant 1 : i32
    %dma_wait3A_161 = arith.constant 1 : i32
    %dma_wait3A_162 = tpu.memref_slice %arg5[%dma_wait3A_161] : memref<16x!tpu.dma_semaphore, #tpu.memory_space<semaphore_mem>> -> memref<1x!tpu.dma_semaphore, #tpu.memory_space<semaphore_mem>>
    %dma_wait3A_163 = tpu.memref_squeeze %dma_wait3A_162 : memref<1x!tpu.dma_semaphore, #tpu.memory_space<semaphore_mem>> -> memref<!tpu.dma_semaphore, #tpu.memory_space<semaphore_mem>>
    %dma_wait3A_164 = arith.constant 0 : i32
    %dma_wait3A_165 = arith.constant 0 : i32
    %dma_wait3A_166 = tpu.memref_slice %arg3[%dma_wait3A_160, %arg0, %dma_wait3A_164, %dma_wait3A_165] : memref<16x16x1250x128xf32, #tpu.memory_space<any>> -> memref<1x1x1250x128xf32, #tpu.memory_space<any>>
    %dma_wait3A_167 = tpu.memref_squeeze %dma_wait3A_166 : memref<1x1x1250x128xf32, #tpu.memory_space<any>> -> memref<1250x128xf32, #tpu.memory_space<any>>
    tpu.wait_dma2 semaphore(%dma_wait3A_163 : memref<!tpu.dma_semaphore, #tpu.memory_space<semaphore_mem>>) src(%arg4 : memref<1250x128xf32, #tpu.memory_space<vmem>>) dst(%dma_wait3A_167 : memref<1250x128xf32, #tpu.memory_space<any>>)
    %dma_wait3A_168 = arith.constant 2 : i32
    %dma_wait3A_169 = arith.constant 2 : i32
    %dma_wait3A_170 = tpu.memref_slice %arg5[%dma_wait3A_169] : memref<16x!tpu.dma_semaphore, #tpu.memory_space<semaphore_mem>> -> memref<1x!tpu.dma_semaphore, #tpu.memory_space<semaphore_mem>>
    %dma_wait3A_171 = tpu.memref_squeeze %dma_wait3A_170 : memref<1x!tpu.dma_semaphore, #tpu.memory_space<semaphore_mem>> -> memref<!tpu.dma_semaphore, #tpu.memory_space<semaphore_mem>>
    %dma_wait3A_172 = arith.constant 0 : i32
    %dma_wait3A_173 = arith.constant 0 : i32
    %dma_wait3A_174 = tpu.memref_slice %arg3[%dma_wait3A_168, %arg0, %dma_wait3A_172, %dma_wait3A_173] : memref<16x16x1250x128xf32, #tpu.memory_space<any>> -> memref<1x1x1250x128xf32, #tpu.memory_space<any>>
    %dma_wait3A_175 = tpu.memref_squeeze %dma_wait3A_174 : memref<1x1x1250x128xf32, #tpu.memory_space<any>> -> memref<1250x128xf32, #tpu.memory_space<any>>
    tpu.wait_dma2 semaphore(%dma_wait3A_171 : memref<!tpu.dma_semaphore, #tpu.memory_space<semaphore_mem>>) src(%arg4 : memref<1250x128xf32, #tpu.memory_space<vmem>>) dst(%dma_wait3A_175 : memref<1250x128xf32, #tpu.memory_space<any>>)
    %dma_wait3A_176 = arith.constant 3 : i32
    %dma_wait3A_177 = arith.constant 3 : i32
    %dma_wait3A_178 = tpu.memref_slice %arg5[%dma_wait3A_177] : memref<16x!tpu.dma_semaphore, #tpu.memory_space<semaphore_mem>> -> memref<1x!tpu.dma_semaphore, #tpu.memory_space<semaphore_mem>>
    %dma_wait3A_179 = tpu.memref_squeeze %dma_wait3A_178 : memref<1x!tpu.dma_semaphore, #tpu.memory_space<semaphore_mem>> -> memref<!tpu.dma_semaphore, #tpu.memory_space<semaphore_mem>>
    %dma_wait3A_180 = arith.constant 0 : i32
    %dma_wait3A_181 = arith.constant 0 : i32
    %dma_wait3A_182 = tpu.memref_slice %arg3[%dma_wait3A_176, %arg0, %dma_wait3A_180, %dma_wait3A_181] : memref<16x16x1250x128xf32, #tpu.memory_space<any>> -> memref<1x1x1250x128xf32, #tpu.memory_space<any>>
    %dma_wait3A_183 = tpu.memref_squeeze %dma_wait3A_182 : memref<1x1x1250x128xf32, #tpu.memory_space<any>> -> memref<1250x128xf32, #tpu.memory_space<any>>
    tpu.wait_dma2 semaphore(%dma_wait3A_179 : memref<!tpu.dma_semaphore, #tpu.memory_space<semaphore_mem>>) src(%arg4 : memref<1250x128xf32, #tpu.memory_space<vmem>>) dst(%dma_wait3A_183 : memref<1250x128xf32, #tpu.memory_space<any>>)
    %dma_wait3A_184 = arith.constant 4 : i32
    %dma_wait3A_185 = arith.constant 4 : i32
    %dma_wait3A_186 = tpu.memref_slice %arg5[%dma_wait3A_185] : memref<16x!tpu.dma_semaphore, #tpu.memory_space<semaphore_mem>> -> memref<1x!tpu.dma_semaphore, #tpu.memory_space<semaphore_mem>>
    %dma_wait3A_187 = tpu.memref_squeeze %dma_wait3A_186 : memref<1x!tpu.dma_semaphore, #tpu.memory_space<semaphore_mem>> -> memref<!tpu.dma_semaphore, #tpu.memory_space<semaphore_mem>>
    %dma_wait3A_188 = arith.constant 0 : i32
    %dma_wait3A_189 = arith.constant 0 : i32
    %dma_wait3A_190 = tpu.memref_slice %arg3[%dma_wait3A_184, %arg0, %dma_wait3A_188, %dma_wait3A_189] : memref<16x16x1250x128xf32, #tpu.memory_space<any>> -> memref<1x1x1250x128xf32, #tpu.memory_space<any>>
    %dma_wait3A_191 = tpu.memref_squeeze %dma_wait3A_190 : memref<1x1x1250x128xf32, #tpu.memory_space<any>> -> memref<1250x128xf32, #tpu.memory_space<any>>
    tpu.wait_dma2 semaphore(%dma_wait3A_187 : memref<!tpu.dma_semaphore, #tpu.memory_space<semaphore_mem>>) src(%arg4 : memref<1250x128xf32, #tpu.memory_space<vmem>>) dst(%dma_wait3A_191 : memref<1250x128xf32, #tpu.memory_space<any>>)
    %dma_wait3A_192 = arith.constant 5 : i32
    %dma_wait3A_193 = arith.constant 5 : i32
    %dma_wait3A_194 = tpu.memref_slice %arg5[%dma_wait3A_193] : memref<16x!tpu.dma_semaphore, #tpu.memory_space<semaphore_mem>> -> memref<1x!tpu.dma_semaphore, #tpu.memory_space<semaphore_mem>>
    %dma_wait3A_195 = tpu.memref_squeeze %dma_wait3A_194 : memref<1x!tpu.dma_semaphore, #tpu.memory_space<semaphore_mem>> -> memref<!tpu.dma_semaphore, #tpu.memory_space<semaphore_mem>>
    %dma_wait3A_196 = arith.constant 0 : i32
    %dma_wait3A_197 = arith.constant 0 : i32
    %dma_wait3A_198 = tpu.memref_slice %arg3[%dma_wait3A_192, %arg0, %dma_wait3A_196, %dma_wait3A_197] : memref<16x16x1250x128xf32, #tpu.memory_space<any>> -> memref<1x1x1250x128xf32, #tpu.memory_space<any>>
    %dma_wait3A_199 = tpu.memref_squeeze %dma_wait3A_198 : memref<1x1x1250x128xf32, #tpu.memory_space<any>> -> memref<1250x128xf32, #tpu.memory_space<any>>
    tpu.wait_dma2 semaphore(%dma_wait3A_195 : memref<!tpu.dma_semaphore, #tpu.memory_space<semaphore_mem>>) src(%arg4 : memref<1250x128xf32, #tpu.memory_space<vmem>>) dst(%dma_wait3A_199 : memref<1250x128xf32, #tpu.memory_space<any>>)
    %dma_wait3A_200 = arith.constant 6 : i32
    %dma_wait3A_201 = arith.constant 6 : i32
    %dma_wait3A_202 = tpu.memref_slice %arg5[%dma_wait3A_201] : memref<16x!tpu.dma_semaphore, #tpu.memory_space<semaphore_mem>> -> memref<1x!tpu.dma_semaphore, #tpu.memory_space<semaphore_mem>>
    %dma_wait3A_203 = tpu.memref_squeeze %dma_wait3A_202 : memref<1x!tpu.dma_semaphore, #tpu.memory_space<semaphore_mem>> -> memref<!tpu.dma_semaphore, #tpu.memory_space<semaphore_mem>>
    %dma_wait3A_204 = arith.constant 0 : i32
    %dma_wait3A_205 = arith.constant 0 : i32
    %dma_wait3A_206 = tpu.memref_slice %arg3[%dma_wait3A_200, %arg0, %dma_wait3A_204, %dma_wait3A_205] : memref<16x16x1250x128xf32, #tpu.memory_space<any>> -> memref<1x1x1250x128xf32, #tpu.memory_space<any>>
    %dma_wait3A_207 = tpu.memref_squeeze %dma_wait3A_206 : memref<1x1x1250x128xf32, #tpu.memory_space<any>> -> memref<1250x128xf32, #tpu.memory_space<any>>
    tpu.wait_dma2 semaphore(%dma_wait3A_203 : memref<!tpu.dma_semaphore, #tpu.memory_space<semaphore_mem>>) src(%arg4 : memref<1250x128xf32, #tpu.memory_space<vmem>>) dst(%dma_wait3A_207 : memref<1250x128xf32, #tpu.memory_space<any>>)
    %dma_wait3A_208 = arith.constant 7 : i32
    %dma_wait3A_209 = arith.constant 7 : i32
    %dma_wait3A_210 = tpu.memref_slice %arg5[%dma_wait3A_209] : memref<16x!tpu.dma_semaphore, #tpu.memory_space<semaphore_mem>> -> memref<1x!tpu.dma_semaphore, #tpu.memory_space<semaphore_mem>>
    %dma_wait3A_211 = tpu.memref_squeeze %dma_wait3A_210 : memref<1x!tpu.dma_semaphore, #tpu.memory_space<semaphore_mem>> -> memref<!tpu.dma_semaphore, #tpu.memory_space<semaphore_mem>>
    %dma_wait3A_212 = arith.constant 0 : i32
    %dma_wait3A_213 = arith.constant 0 : i32
    %dma_wait3A_214 = tpu.memref_slice %arg3[%dma_wait3A_208, %arg0, %dma_wait3A_212, %dma_wait3A_213] : memref<16x16x1250x128xf32, #tpu.memory_space<any>> -> memref<1x1x1250x128xf32, #tpu.memory_space<any>>
    %dma_wait3A_215 = tpu.memref_squeeze %dma_wait3A_214 : memref<1x1x1250x128xf32, #tpu.memory_space<any>> -> memref<1250x128xf32, #tpu.memory_space<any>>
    tpu.wait_dma2 semaphore(%dma_wait3A_211 : memref<!tpu.dma_semaphore, #tpu.memory_space<semaphore_mem>>) src(%arg4 : memref<1250x128xf32, #tpu.memory_space<vmem>>) dst(%dma_wait3A_215 : memref<1250x128xf32, #tpu.memory_space<any>>)
    %dma_wait3A_216 = arith.constant 8 : i32
    %dma_wait3A_217 = arith.constant 8 : i32
    %dma_wait3A_218 = tpu.memref_slice %arg5[%dma_wait3A_217] : memref<16x!tpu.dma_semaphore, #tpu.memory_space<semaphore_mem>> -> memref<1x!tpu.dma_semaphore, #tpu.memory_space<semaphore_mem>>
    %dma_wait3A_219 = tpu.memref_squeeze %dma_wait3A_218 : memref<1x!tpu.dma_semaphore, #tpu.memory_space<semaphore_mem>> -> memref<!tpu.dma_semaphore, #tpu.memory_space<semaphore_mem>>
    %dma_wait3A_220 = arith.constant 0 : i32
    %dma_wait3A_221 = arith.constant 0 : i32
    %dma_wait3A_222 = tpu.memref_slice %arg3[%dma_wait3A_216, %arg0, %dma_wait3A_220, %dma_wait3A_221] : memref<16x16x1250x128xf32, #tpu.memory_space<any>> -> memref<1x1x1250x128xf32, #tpu.memory_space<any>>
    %dma_wait3A_223 = tpu.memref_squeeze %dma_wait3A_222 : memref<1x1x1250x128xf32, #tpu.memory_space<any>> -> memref<1250x128xf32, #tpu.memory_space<any>>
    tpu.wait_dma2 semaphore(%dma_wait3A_219 : memref<!tpu.dma_semaphore, #tpu.memory_space<semaphore_mem>>) src(%arg4 : memref<1250x128xf32, #tpu.memory_space<vmem>>) dst(%dma_wait3A_223 : memref<1250x128xf32, #tpu.memory_space<any>>)
    %dma_wait3A_224 = arith.constant 9 : i32
    %dma_wait3A_225 = arith.constant 9 : i32
    %dma_wait3A_226 = tpu.memref_slice %arg5[%dma_wait3A_225] : memref<16x!tpu.dma_semaphore, #tpu.memory_space<semaphore_mem>> -> memref<1x!tpu.dma_semaphore, #tpu.memory_space<semaphore_mem>>
    %dma_wait3A_227 = tpu.memref_squeeze %dma_wait3A_226 : memref<1x!tpu.dma_semaphore, #tpu.memory_space<semaphore_mem>> -> memref<!tpu.dma_semaphore, #tpu.memory_space<semaphore_mem>>
    %dma_wait3A_228 = arith.constant 0 : i32
    %dma_wait3A_229 = arith.constant 0 : i32
    %dma_wait3A_230 = tpu.memref_slice %arg3[%dma_wait3A_224, %arg0, %dma_wait3A_228, %dma_wait3A_229] : memref<16x16x1250x128xf32, #tpu.memory_space<any>> -> memref<1x1x1250x128xf32, #tpu.memory_space<any>>
    %dma_wait3A_231 = tpu.memref_squeeze %dma_wait3A_230 : memref<1x1x1250x128xf32, #tpu.memory_space<any>> -> memref<1250x128xf32, #tpu.memory_space<any>>
    tpu.wait_dma2 semaphore(%dma_wait3A_227 : memref<!tpu.dma_semaphore, #tpu.memory_space<semaphore_mem>>) src(%arg4 : memref<1250x128xf32, #tpu.memory_space<vmem>>) dst(%dma_wait3A_231 : memref<1250x128xf32, #tpu.memory_space<any>>)
    %dma_wait3A_232 = arith.constant 10 : i32
    %dma_wait3A_233 = arith.constant 10 : i32
    %dma_wait3A_234 = tpu.memref_slice %arg5[%dma_wait3A_233] : memref<16x!tpu.dma_semaphore, #tpu.memory_space<semaphore_mem>> -> memref<1x!tpu.dma_semaphore, #tpu.memory_space<semaphore_mem>>
    %dma_wait3A_235 = tpu.memref_squeeze %dma_wait3A_234 : memref<1x!tpu.dma_semaphore, #tpu.memory_space<semaphore_mem>> -> memref<!tpu.dma_semaphore, #tpu.memory_space<semaphore_mem>>
    %dma_wait3A_236 = arith.constant 0 : i32
    %dma_wait3A_237 = arith.constant 0 : i32
    %dma_wait3A_238 = tpu.memref_slice %arg3[%dma_wait3A_232, %arg0, %dma_wait3A_236, %dma_wait3A_237] : memref<16x16x1250x128xf32, #tpu.memory_space<any>> -> memref<1x1x1250x128xf32, #tpu.memory_space<any>>
    %dma_wait3A_239 = tpu.memref_squeeze %dma_wait3A_238 : memref<1x1x1250x128xf32, #tpu.memory_space<any>> -> memref<1250x128xf32, #tpu.memory_space<any>>
    tpu.wait_dma2 semaphore(%dma_wait3A_235 : memref<!tpu.dma_semaphore, #tpu.memory_space<semaphore_mem>>) src(%arg4 : memref<1250x128xf32, #tpu.memory_space<vmem>>) dst(%dma_wait3A_239 : memref<1250x128xf32, #tpu.memory_space<any>>)
    %dma_wait3A_240 = arith.constant 11 : i32
    %dma_wait3A_241 = arith.constant 11 : i32
    %dma_wait3A_242 = tpu.memref_slice %arg5[%dma_wait3A_241] : memref<16x!tpu.dma_semaphore, #tpu.memory_space<semaphore_mem>> -> memref<1x!tpu.dma_semaphore, #tpu.memory_space<semaphore_mem>>
    %dma_wait3A_243 = tpu.memref_squeeze %dma_wait3A_242 : memref<1x!tpu.dma_semaphore, #tpu.memory_space<semaphore_mem>> -> memref<!tpu.dma_semaphore, #tpu.memory_space<semaphore_mem>>
    %dma_wait3A_244 = arith.constant 0 : i32
    %dma_wait3A_245 = arith.constant 0 : i32
    %dma_wait3A_246 = tpu.memref_slice %arg3[%dma_wait3A_240, %arg0, %dma_wait3A_244, %dma_wait3A_245] : memref<16x16x1250x128xf32, #tpu.memory_space<any>> -> memref<1x1x1250x128xf32, #tpu.memory_space<any>>
    %dma_wait3A_247 = tpu.memref_squeeze %dma_wait3A_246 : memref<1x1x1250x128xf32, #tpu.memory_space<any>> -> memref<1250x128xf32, #tpu.memory_space<any>>
    tpu.wait_dma2 semaphore(%dma_wait3A_243 : memref<!tpu.dma_semaphore, #tpu.memory_space<semaphore_mem>>) src(%arg4 : memref<1250x128xf32, #tpu.memory_space<vmem>>) dst(%dma_wait3A_247 : memref<1250x128xf32, #tpu.memory_space<any>>)
    %dma_wait3A_248 = arith.constant 12 : i32
    %dma_wait3A_249 = arith.constant 12 : i32
    %dma_wait3A_250 = tpu.memref_slice %arg5[%dma_wait3A_249] : memref<16x!tpu.dma_semaphore, #tpu.memory_space<semaphore_mem>> -> memref<1x!tpu.dma_semaphore, #tpu.memory_space<semaphore_mem>>
    %dma_wait3A_251 = tpu.memref_squeeze %dma_wait3A_250 : memref<1x!tpu.dma_semaphore, #tpu.memory_space<semaphore_mem>> -> memref<!tpu.dma_semaphore, #tpu.memory_space<semaphore_mem>>
    %dma_wait3A_252 = arith.constant 0 : i32
    %dma_wait3A_253 = arith.constant 0 : i32
    %dma_wait3A_254 = tpu.memref_slice %arg3[%dma_wait3A_248, %arg0, %dma_wait3A_252, %dma_wait3A_253] : memref<16x16x1250x128xf32, #tpu.memory_space<any>> -> memref<1x1x1250x128xf32, #tpu.memory_space<any>>
    %dma_wait3A_255 = tpu.memref_squeeze %dma_wait3A_254 : memref<1x1x1250x128xf32, #tpu.memory_space<any>> -> memref<1250x128xf32, #tpu.memory_space<any>>
    tpu.wait_dma2 semaphore(%dma_wait3A_251 : memref<!tpu.dma_semaphore, #tpu.memory_space<semaphore_mem>>) src(%arg4 : memref<1250x128xf32, #tpu.memory_space<vmem>>) dst(%dma_wait3A_255 : memref<1250x128xf32, #tpu.memory_space<any>>)
    %dma_wait3A_256 = arith.constant 13 : i32
    %dma_wait3A_257 = arith.constant 13 : i32
    %dma_wait3A_258 = tpu.memref_slice %arg5[%dma_wait3A_257] : memref<16x!tpu.dma_semaphore, #tpu.memory_space<semaphore_mem>> -> memref<1x!tpu.dma_semaphore, #tpu.memory_space<semaphore_mem>>
    %dma_wait3A_259 = tpu.memref_squeeze %dma_wait3A_258 : memref<1x!tpu.dma_semaphore, #tpu.memory_space<semaphore_mem>> -> memref<!tpu.dma_semaphore, #tpu.memory_space<semaphore_mem>>
    %dma_wait3A_260 = arith.constant 0 : i32
    %dma_wait3A_261 = arith.constant 0 : i32
    %dma_wait3A_262 = tpu.memref_slice %arg3[%dma_wait3A_256, %arg0, %dma_wait3A_260, %dma_wait3A_261] : memref<16x16x1250x128xf32, #tpu.memory_space<any>> -> memref<1x1x1250x128xf32, #tpu.memory_space<any>>
    %dma_wait3A_263 = tpu.memref_squeeze %dma_wait3A_262 : memref<1x1x1250x128xf32, #tpu.memory_space<any>> -> memref<1250x128xf32, #tpu.memory_space<any>>
    tpu.wait_dma2 semaphore(%dma_wait3A_259 : memref<!tpu.dma_semaphore, #tpu.memory_space<semaphore_mem>>) src(%arg4 : memref<1250x128xf32, #tpu.memory_space<vmem>>) dst(%dma_wait3A_263 : memref<1250x128xf32, #tpu.memory_space<any>>)
    %dma_wait3A_264 = arith.constant 14 : i32
    %dma_wait3A_265 = arith.constant 14 : i32
    %dma_wait3A_266 = tpu.memref_slice %arg5[%dma_wait3A_265] : memref<16x!tpu.dma_semaphore, #tpu.memory_space<semaphore_mem>> -> memref<1x!tpu.dma_semaphore, #tpu.memory_space<semaphore_mem>>
    %dma_wait3A_267 = tpu.memref_squeeze %dma_wait3A_266 : memref<1x!tpu.dma_semaphore, #tpu.memory_space<semaphore_mem>> -> memref<!tpu.dma_semaphore, #tpu.memory_space<semaphore_mem>>
    %dma_wait3A_268 = arith.constant 0 : i32
    %dma_wait3A_269 = arith.constant 0 : i32
    %dma_wait3A_270 = tpu.memref_slice %arg3[%dma_wait3A_264, %arg0, %dma_wait3A_268, %dma_wait3A_269] : memref<16x16x1250x128xf32, #tpu.memory_space<any>> -> memref<1x1x1250x128xf32, #tpu.memory_space<any>>
    %dma_wait3A_271 = tpu.memref_squeeze %dma_wait3A_270 : memref<1x1x1250x128xf32, #tpu.memory_space<any>> -> memref<1250x128xf32, #tpu.memory_space<any>>
    tpu.wait_dma2 semaphore(%dma_wait3A_267 : memref<!tpu.dma_semaphore, #tpu.memory_space<semaphore_mem>>) src(%arg4 : memref<1250x128xf32, #tpu.memory_space<vmem>>) dst(%dma_wait3A_271 : memref<1250x128xf32, #tpu.memory_space<any>>)
    %dma_wait3A_272 = arith.constant 15 : i32
    %dma_wait3A_273 = arith.constant 15 : i32
    %dma_wait3A_274 = tpu.memref_slice %arg5[%dma_wait3A_273] : memref<16x!tpu.dma_semaphore, #tpu.memory_space<semaphore_mem>> -> memref<1x!tpu.dma_semaphore, #tpu.memory_space<semaphore_mem>>
    %dma_wait3A_275 = tpu.memref_squeeze %dma_wait3A_274 : memref<1x!tpu.dma_semaphore, #tpu.memory_space<semaphore_mem>> -> memref<!tpu.dma_semaphore, #tpu.memory_space<semaphore_mem>>
    %dma_wait3A_276 = arith.constant 0 : i32
    %dma_wait3A_277 = arith.constant 0 : i32
    %dma_wait3A_278 = tpu.memref_slice %arg3[%dma_wait3A_272, %arg0, %dma_wait3A_276, %dma_wait3A_277] : memref<16x16x1250x128xf32, #tpu.memory_space<any>> -> memref<1x1x1250x128xf32, #tpu.memory_space<any>>
    %dma_wait3A_279 = tpu.memref_squeeze %dma_wait3A_278 : memref<1x1x1250x128xf32, #tpu.memory_space<any>> -> memref<1250x128xf32, #tpu.memory_space<any>>
    tpu.wait_dma2 semaphore(%dma_wait3A_275 : memref<!tpu.dma_semaphore, #tpu.memory_space<semaphore_mem>>) src(%arg4 : memref<1250x128xf32, #tpu.memory_space<vmem>>) dst(%dma_wait3A_279 : memref<1250x128xf32, #tpu.memory_space<any>>)
    return
  }
  func.func @transform_0(%arg0: i32) -> (i32, i32, i32) {
    %c0_i32 = arith.constant 0 : i32
    %c0_i32_0 = arith.constant 0 : i32
    %c0_i32_1 = arith.constant 0 : i32
    return %arg0, %c0_i32, %c0_i32_0 : i32, i32, i32
  }
  func.func @transform_1(%arg0: i32) -> (i32, i32, i32) {
    %c0_i32 = arith.constant 0 : i32
    %c0_i32_0 = arith.constant 0 : i32
    %c0_i32_1 = arith.constant 0 : i32
    return %arg0, %c0_i32, %c0_i32_0 : i32, i32, i32
  }
}

</mosaic_0001>

<sc_bundles>
// kernel: kernel.4.cloned.1.call-start
scs
__scs_entry_jumppad:
0x0: {  	(pc) =	sbr.rel $0x88, $3  }
0x1: {  	(tag) =	ssettag $0x0;
	lr =	simm.s32 $0x1  }
0x2: {  	[smem:$0x3F9F] =	sst lr;
	_ =	strace $0xD0000000  }
0x3: {  	_ = 	snop  }
0x4: {  	_ = 	snop  }
0x5: {  	_ = 	snop  }
0x6: {  	_ = 	snop  }
0x7: {  	_ = 	snop  }
__scs_overlays_trampoline_lowered:
0x8: {  	[smem:$0x3FAE] =	sst s0  }
0x9: {  	[smem:$0x3FAF] =	sst s1  }
0xa: {  	[smem:$0x3FB0] =	sst s2  }
0xb: {  	[smem:$0x3FB1] =	sst s3  }
0xc: {  	[smem:$0x3FB2] =	sst s4  }
0xd: {  	[smem:$0x3FB3] =	sst s5  }
0xe: {  	[smem:$0x3FB4] =	sst s6  }
0xf: {  	[smem:$0x3FB5] =	sst s7  }
0x10: {  	[smem:$0x3FB6] =	sst s8  }
0x11: {  	[smem:$0x3FB7] =	sst s9;
	s0 =	simm.s32 @!p0 $0x0  }
0x12: {  	s1 =	sld [smem:$0x3F9D];
	s0 =	simm.s32 @p0 $0x1  }
0x13: {  	[smem:$0x3FB8] =	sst s0;
	s0 =	simm.s32 @!p1 $0x0  }
0x14: {  	s2 =	sld [smem:$0x3F9C];
	s0 =	simm.s32 @p1 $0x1  }
0x15: {  	[smem:$0x3FB9] =	sst s0;
	s0 =	simm.s32 @!p2 $0x0  }
0x16: {  	s3 =	sld [smem:$0x3FDB];
	s0 =	simm.s32 @p2 $0x1  }
0x17: {  	s4 =	simm.s32 $0x1BF5;
	[smem:$0x3FBB] =	sst s0  }
0x18: {  	s0 =	sld [smem:$0x3F9E];
	_ =	swait.ge [sflag:s4], $0x0  }
0x19: {  	s7 =	sld [smem:$0x3F9F]  }
0x1a: {  	s8 =	sadd.s32 $0xFFFFE003, lr  }
0x1b: {  	s9 =	sadd.s32 $0xFFFFFEF7, lr;
	s5 =	simm.s32 $0xFFFFFFFF;
	p2 =	slt.u32 s8, $0xFFFFF086  }
0x1c: {  	p1 =	slt.u32 s9, $0xF7A;
	s5 =	simm.s32 @!p2 $0x0  }
0x1d: {  	s5 =	simm.s32 @p1 $0x1;
	p0 =	seq.s32 s7, s2  }
0x1e: {  	s7 =	smul.u32 @!p0 $0xF7A, s2;
	p2 =	seq.s32 @!p0 s5, $0x0  }
0x1f: {  	s9 =	smul.u32 $0xF7A, s1;
	s8 =	simm.s32 @!p0 $0x1BF5;
	p2 =	por !p2, p0  }
0x20: {  	[sflag:s8] =	ssyncset.s32 @!p0 $0xFFFFF086;
	s6 =	sadd.s32 @!p0 s3, s7;
	s7 =	simm.s32 @!p0 $0x108  }
0x21: {  	s3 =	sadd.s32 s3, s9;
	s6 =	sadd.s32 @!p0 $0x88, s6;
	s7 =	simm.s32 @p2 $0x1082  }
0x22: {  	[simem:s7], [sflag:s8] =	dma.local @!p0 [hbm:s6], $0xF7A  }
0x23: {  	s9 =	sor.u32 $0xD0000000, s2;
	s6 =	simm.s32 $0x108;
	_ =	swait.ge @!p0 [sflag:s8], $0x0  }
0x24: {  	s3 =	sadd.s32 $0x88, s3;
	s6 =	simm.s32 @!p1 $0x1082;
	[sflag:s4] =	ssyncset.s32 $0xFFFFF086  }
0x25: {  	[simem:s6], [sflag:s4] =	dma.local [hbm:s3], $0xF7A  }
0x26: {  	[smem:$0x3F9F] =	sst s1;
	(tag) =	ssettag s2;
	_ =	strace s9  }
0x27: {  	s1 =	sld [smem:$0x3FAF]  }
0x28: {  	s2 =	sld [smem:$0x3FB0]  }
0x29: {  	s4 =	sld [smem:$0x3FB2]  }
0x2a: {  	p0 =	seq.s32 s5, $0x0;
	s5 =	sld [smem:$0x3FB3]  }
0x2b: {  	s6 =	sld [smem:$0x3FB4]  }
0x2c: {  	s7 =	sld [smem:$0x3FB5]  }
0x2d: {  	s3 =	simm.s32 $0x108;
	s8 =	sld [smem:$0x3FB6]  }
0x2e: {  	s3 =	simm.s32 @!p0 $0x1082;
	s9 =	sld [smem:$0x3FB7]  }
0x2f: {  	lr =	sadd.s32 s0, s3;
	s0 =	sld [smem:$0x3FAE]  }
0x30: {  	s3 =	sld [smem:$0x3FB1]  }
0x31: {  	[smem:$0x3FBA] =	sst s10  }
0x32: {  	s10 =	sld [smem:$0x3FB8];
	_ =	sdelay $0x3  }
0x33: {  	p0 =	seq.s32 s10, $0x1;
	s10 =	sld [smem:$0x3FBA];
	_ =	sdelay $0x3  }
0x34: {  	[smem:$0x3FBA] =	sst s10  }
0x35: {  	s10 =	sld [smem:$0x3FB9];
	_ =	sdelay $0x3  }
0x36: {  	p1 =	seq.s32 s10, $0x1;
	s10 =	sld [smem:$0x3FBA];
	_ =	sdelay $0x3  }
0x37: {  	[smem:$0x3FBA] =	sst s10  }
0x38: {  	s10 =	sld [smem:$0x3FBB]  }
0x39: {  	_ = 	snop;
	(pc) =	sbr.ind lr, $3  }
0x3a: {  	_ = 	snop  }
0x3b: {  	_ = 	snop  }
0x3c: {  	p2 =	seq.s32 s10, $0x1;
	s10 =	sld [smem:$0x3FBA]  }
0x3d: {  	_ =	shalt  }
0x3e: {  	_ =	shalt  }
0x3f: {  	_ =	shalt  }
0x40: {  	_ =	shalt  }
0x41: {  	_ =	shalt  }
0x42: {  	_ =	shalt  }
0x43: {  	_ =	shalt  }
0x44: {  	_ =	shalt  }
0x45: {  	_ =	shalt  }
0x46: {  	_ =	shalt  }
0x47: {  	_ =	shalt  }
0x48: {  	_ =	shalt  }
0x49: {  	_ =	shalt  }
0x4a: {  	_ =	shalt  }
0x4b: {  	_ =	shalt  }
0x4c: {  	_ =	shalt  }
0x4d: {  	_ =	shalt  }
0x4e: {  	_ =	shalt  }
0x4f: {  	_ =	shalt  }
0x50: {  	_ =	shalt  }
0x51: {  	_ =	shalt  }
0x52: {  	_ =	shalt  }
0x53: {  	_ =	shalt  }
0x54: {  	_ =	shalt  }
0x55: {  	_ =	shalt  }
0x56: {  	_ =	shalt  }
0x57: {  	_ =	shalt  }
0x58: {  	_ =	shalt  }
0x59: {  	_ =	shalt  }
0x5a: {  	_ =	shalt  }
0x5b: {  	_ =	shalt  }
0x5c: {  	_ =	shalt  }
0x5d: {  	_ =	shalt  }
0x5e: {  	_ =	shalt  }
0x5f: {  	_ =	shalt  }
0x60: {  	_ =	shalt  }
0x61: {  	_ =	shalt  }
0x62: {  	_ =	shalt  }
0x63: {  	_ =	shalt  }
0x64: {  	_ =	shalt  }
0x65: {  	_ =	shalt  }
0x66: {  	_ =	shalt  }
0x67: {  	_ =	shalt  }
0x68: {  	_ =	shalt  }
0x69: {  	_ =	shalt  }
0x6a: {  	_ =	shalt  }
0x6b: {  	_ =	shalt  }
0x6c: {  	_ =	shalt  }
0x6d: {  	_ =	shalt  }
0x6e: {  	_ =	shalt  }
0x6f: {  	_ =	shalt  }
0x70: {  	_ =	shalt  }
0x71: {  	_ =	shalt  }
0x72: {  	_ =	shalt  }
0x73: {  	_ =	shalt  }
0x74: {  	_ =	shalt  }
0x75: {  	_ =	shalt  }
0x76: {  	_ =	shalt  }
0x77: {  	_ =	shalt  }
0x78: {  	_ =	shalt  }
0x79: {  	_ =	shalt  }
0x7a: {  	_ =	shalt  }
0x7b: {  	_ =	shalt  }
0x7c: {  	_ =	shalt  }
0x7d: {  	_ =	shalt  }
0x7e: {  	_ =	shalt  }
0x7f: {  	_ =	shalt  }
0x80: {  	_ =	shalt  }
0x81: {  	_ =	shalt  }
0x82: {  	_ =	shalt  }
0x83: {  	_ =	shalt  }
0x84: {  	_ =	shalt  }
0x85: {  	_ =	shalt  }
0x86: {  	_ =	shalt  }
0x87: {  	_ =	shalt  }
.Lfunc_end0:
.L_simem_size_0:
called_computation.1_lowered:
.L_overlay_start_0:
0x88: {  	s2 =	sld [smem:$0x3FD9]  }
0x89: {  	s3 =	sld [smem:$0x3FFE];
	_ =	sdelay $0x1  }
0x8a: {  	s1 =	srdreg.scid  }
0x8b: {  	s0 =	sand.u32 $0x1, s1  }
0x8c: {  	s17 =	sshll.u32 s0, $0xA;
	s2 =	sadd.s32 s3, s2  }
0x8d: {  	s2 =	sadd.s32 s2, s17  }
0x8e: {  	[smem:$0x3FC6] =	sst s2  }
0x8f: {  	_ = 	snop  }
0x90: {  	s2 =	sld [smem:$0x3FD0];
	(tm) =	ssettm $0x1  }
0x91: {  	s18 =	sld [smem:$0x3FFB];
	_ =	sdelay $0x3  }
0x92: {  	_ =	strace s18  }
0x93: {  	s3 =	sld [smem:$0x3FFC];
	_ =	sdelay $0x3  }
0x94: {  	_ =	strace s3  }
0x95: {  	s3 =	sld [smem:$0x3FFD];
	_ =	sdelay $0x3  }
0x96: {  	_ =	strace s3  }
0x97: {  	_ =	strace $0x8FFFFFFF  }
0x98: {  	s19 =	sld [smem:$0x3FDB];
	_ =	sdelay $0x1  }
0x99: {  	s4 =	simm.s32 $_scs_section_size  }
0x9a: {  	s5 =	simm.s32 $_size__tile_overlayer_lowered;
	s6 =	simm.s32 $_tile_overlayer_lowered  }
0x9b: {  	s22 =	simm.s32 $0x1BFF;
	s21 =	sshll.u32 s6, $0x1;
	s3 =	sadd.s32 s4, s19  }
0x9c: {  	s7 =	simm.s32 $0x0;
	s20 =	sshll.u32 s5, $0x1;
	s5 =	sadd.s32 s21, s3  }
0x9d: {  	[timem:s7], [sflag:s22] =	dma.local [hbm:s5], s20  }
0x9e: {  	_ =	swait.ge [sflag:s22], s20  }
0x9f: {  	s4 =	ssub.s32 $0x0, s20;
	[sflag:s22] =	ssyncset.done $0x0  }
0xa0: {  	[sflag:s22] =	ssyncadd.s32 s4;
	_ =	sdelay $0x1  }
0xa1: {  	s23 =	simm.s32 $0x1B8B  }
0xa2: {  	_ =	swait.ge [sflag:s23], $0x1  }
0xa3: {  	[sflag:s23] =	ssyncset.done $0x0  }
0xa4: {  	s25 =	simm.s32 $0x1B8E;
	s24 =	sld [smem:$0x3FFE];
	[sflag:s23] =	ssyncadd.s32 $0xFFFFFFFF  }
0xa5: {  	s26 =	simm.s32 $execute0_lowered;
	[smem:$0x3FD2] =	sst s25  }
0xa6: {  	s5 =	sshll.u32 s26, $0x1;
	_ =	strace $0x80000046;
	[dreg:$0x1] =	wrdreg $0xFFFFFFFF  }
0xa7: {  	s28 =	simm.s32 $_size_execute0_lowered;
	s3 =	sadd.s32 s3, s5;
	[dreg:$0x0] =	wrdreg $0x0  }
0xa8: {  	s5 =	sshll.u32 s28, $0x1;
	[dreg:$0x2] =	wrdreg s3  }
0xa9: {  	[dreg:$0x3] =	wrdreg s5  }
0xaa: {  	[dreg:$0x4] =	wrdreg $0xC0  }
0xab: {  	_ =	task [dreg:s7], $0x5FFFF  }
0xac: {  	[dreg:$0x1] =	wrdreg $0xFFFFFFFF  }
0xad: {  	[dreg:$0x0] =	wrdreg $0x60  }
0xae: {  	[dreg:$0x2] =	wrdreg s24  }
0xaf: {  	[dreg:$0x3] =	wrdreg s2  }
0xb0: {  	[dreg:$0x4] =	wrdreg $0x9  }
0xb1: {  	_ =	task.clear_ibuf [dreg:s7], $0x5FFFF;
	_ =	strace $0x90000046  }
0xb2: {  	s29 =	simm.s32 $0x9;
	_ =	strace $0x8000004F  }
0xb3: {  	_ =	swait.ge [sflag:s29], $0x1  }
0xb4: {  	[sflag:s29] =	ssyncadd.s32 $0xFFFFFFFF  }
0xb5: {  	_ =	strace $0x9000004F  }
0xb6: {  	_ =	sfence  }
0xb7: {  	s30 =	sld [smem:$0x0];
	_ =	sdelay $0x2  }
0xb8: {  	s31 =	sshll.u32 s1, $0xD;
	s1 =	sshrl.u32 s1, $0x2  }
0xb9: {  	s3 =	sand.u32 $0x4000, s31;
	s1 =	sadd.s32 s1, s30  }
0xba: {  	s0 =	sor.u32 s3, s0;
	s1 =	sshll.u32 s1, $0x11  }
0xbb: {  	s0 =	sor.u32 s1, s0  }
0xbc: {  	s0 =	sadd.s32 $0x8F2B, s0  }
0xbd: {  	[sflag:s0] =	ssyncadd.remote.s32 $0x1  }
0xbe: {  	_ =	sfence.sel $0xFFFF  }
0xbf: {  	[dreg:$0x0] =	wrdreg $0xFFFFFFFF;
	(pc) =	sbr.abs _section_cstart, $3  }
0xc0: {  	[dreg:$0x1] =	wrdreg $0xFFFFFFFF  }
0xc1: {  	_ =	task.clear_ibuf [dreg:s7], $0x2FFFF;
	_ =	strace $0x9FFFFFFF  }
0xc2: {  	(tm) =	ssettm $0x7FFFFFFF  }
0xc3: {  	_ =	shalt  }
tec
execute0_lowered:
.L_overlay_start_1:
0x0: {  	(tag) =	ssettag $0x1  }
0x1: {  	s4 =	rddreg [dreg:$0x0];
	s0 =	srdreg.scid  }
0x2: {  	s1 =	rddreg [dreg:$0x1];
	s2 =	simm.s32 $0x0;
	s9 =	simm.s32 $0x1  }
0x3: {  	s10 =	simm.s32 $0x190;
	s5 =	sand.u32 $0x1, s0;
	[dreg:$0x5] =	wrdreg s1  }
0x4: {  	s1 =	stileid.u32;
	s0 =	rddreg [dreg:$0x2];
	s3 =	sshll.u32 s5, $0x4  }
0x5: {  	s11 =	simm.s32 $0x0;
	[smem:$0x7FF] =	sst s2;
	s3 =	sor.u32 s1, s3  }
0x6: {  	s7 =	sadd.s32 $0x2400, s4;
	s4 =	sadd.s32 $0xA00, s4;
	s6 =	smul.u32 $0x3, s3  }
0x7: {  	_ =	strace $0x80000047;
	[dreg:$0x3] =	wrdreg s7;
	s29 =	ssub.s32 $0x2, s5  }
0x8: {  	p0 =	slt.u32 s3, $0x4;
	s8 =	sshll.u32 s3, $0x2;
	s3 =	sadd.s32 $0x4, s6  }
0x9: {  	s5 =	simm.s32 $0x4;
	[dreg:$0x4] =	wrdreg s10;
	s3 =	smov.u32 @p0 s8  }
0xa: {  	s10 =	simm.s32 $0x5;
	s31 =	sshrl.u32 s29, $0x1;
	s30 =	sshll.u32 s3, $0x6  }
0xb: {  	s5 =	simm.s32 @!p0 $0x3;
	s8 =	ssub.s32 s29, s31;
	s7 =	sand.u32 $0x1FFFFFC0, s30  }
0xc: {  	s8 =	smax.u32 s8, $0x1;
	s6 =	sadd.s32 s4, s7;
	s7 =	sadd.s32 $0xFFFFFFFF, s5  }
.LBB2_1:
0xd: {  	_ =	strace $0x80000048;
	p2 =	sne.s32 s5, $0x1  }
.Ltmp0:
0xe: {  	p0 =	seq.s32 s5, $0x1;
	s25 =	simm.s32 $0x1;
	(pc) =	sbr.rel @!p2 .LBB2_2-.Ltmp0, $4  }
0xf: {  	[tilespmem:s2], [sflag:$0x1] =	stream.linear.gather [hbm4b:s6+s2], $0x200, $0x200038;
	[tilespmem:$0x19400] =	vst v63  }
0x10: {  	s12 =	simm.s32 $0x1;
	s25 =	simm.s32 @p0 $0x0  }
0x11: {  	p6 =	sgt.s32 s7, $0x0;
	s13 =	sadd.s32 $0x0, s3;
	p1 =	sne.s32 s25, $0x0  }
0x12: {  	p5 =	por $0x0, $0x0;
	_ =	strace $0x90000048;
	p3 =	por !p6, !p1  }
0x13: {  	p2 =	por !p3, !p3  }
0x14: {  	s22 =	sand.u32 $0x1, s2;
	s18 =	simm.s32 $0x2;
	s14 =	sadd.s32 @p2 s3, s25  }
0x15: {  	p0 =	por p1, p1;
	s15 =	sand.u32 @p2 $0x1, s9;
	s14 =	sshll.u32 @p2 s14, $0x6  }
0x16: {  	_ =	strace @p2 $0x80000049;
	s17 =	simm.s32 @p2 $0x0;
	s14 =	sand.u32 @p2 $0x1FFFFFC0, s14  }
0x17: {  	s16 =	sshll.u32 @p2 s15, $0x9;
	s15 =	sadd.s32 @p2 $0x1, s15;
	s14 =	sadd.s32 @p2 s4, s14  }
0x18: {  	[tilespmem:s16], [sflag:s15] =	stream.linear.gather @p2 [hbm4b:s14+s17], $0x200, $0x200038;
	[tilespmem:$0x19400] =	vst v63  }
0x19: {  	p4 =	sne.s32 s5, $0x2;
	p1 =	por $0x1, $0x1;
	_ =	strace @p2 $0x90000049  }
0x1a: {  	s21 =	sadd.s32 $0x1, s25;
	s26 =	sadd.s32 $0x1, s22;
	_ =	strace $0x8000004A  }
0x1b: {  	s30 =	simm.s32 $0x0;
	p6 =	sgt.s32 s7, $0x1;
	_ =	swait.ge [sflag:s26], $0x200  }
0x1c: {  	p5 =	por $0x0, $0x0;
	s28 =	smul.u32 $0x32000, s22;
	[sflag:s26] =	ssyncset.done $0x0  }
0x1d: {  	s19 =	sand.u32 @!p1 $0x1, s2;
	p3 =	seq.s32 s21, s5;
	[sflag:s26] =	ssyncadd.s32 $0xFFFFFE00  }
0x1e: {  	s31 =	sand.u32 $0x200, s30;
	s29 =	sshrl.u32 s28, $0x2;
	_ =	strace $0x9000004A  }
0x1f: {  	s21 =	simm.s32 @p3 $0x0;
	s24 =	sor.u32 $0x400, s29;
	_ =	strace $0x8000004B  }
0x20: {  	s17 =	sadd.s32 s3, s25;
	s15 =	simm.s32 $0x1;
	s20 =	rddreg [dreg:$0x4]  }
0x21: {  	s14 =	simm.s32 $0x0;
	s15 =	simm.s32 @!p2 $0x0;
	s23 =	rddreg [dreg:$0x3]  }
0x22: {  	[tilespmem:s24], [sflag:$0x5] =	stream.indirect.gather [hbm4b:s23+s20], $0x80, s31, s20, $0x2000b8;
	[tilespmem:$0x19400] =	vst v63  }
.Ltmp1:
0x23: {  	p2 =	por p1, p1;
	p1 =	sne.s32 s25, s21;
	(pc) =	sbr.rel @!p4 .LBB2_4-.Ltmp1, $4  }
0x24: {  	s16 =	sadd.s32 $0x1, s15;
	p3 =	por !p6, !p1;
	_ =	swait.ge [sflag:s10], $0xC800  }
0x25: {  	p6 =	seq.s32 s7, $0x0;
	s15 =	simm.s32 $0x0;
	[sflag:s10] =	ssyncset.done $0x0  }
0x26: {  	p6 =	por p6, p0;
	s23 =	simm.s32 $0x1;
	[sflag:s10] =	ssyncadd.s32 $0xFFFF3800  }
0x27: {  	s20 =	simm.s32 $0x0;
	s23 =	simm.s32 @!p5 $0x0;
	_ =	strace $0x9000004B  }
.LBB2_5:
0x28: {  	_ =	strace @p6 $0x8000004C;
	s28 =	simm.s32 $0x1;
	s25 =	smov.u32 s12  }
0x29: {  	s12 =	smov.u32 s18;
	s18 =	sadd.s32 $0x1, s18;
	s13 =	smul.u32 @p6 $0xC800, s13  }
0x2a: {  	s26 =	smov.u32 s21;
	p4 =	por p1, p1;
	s22 =	sadd.s32 @p6 $0x3, s22  }
0x2b: {  	p3 =	por !p3, !p3;
	s29 =	rddreg [dreg:$0x5];
	s13 =	sshrl.u32 @p6 s13, $0x3  }
0x2c: {  	s14 =	sadd.s32 s23, s14;
	s13 =	sadd.s32 @p6 s29, s13;
	s29 =	simm.s32 @p6 $0x0  }
0x2d: {  	[hbm4b:s13+s29] =	stream.linear.scatter @p6 [tilespmem:s24], [sflag:s22], $0xC800, $0x200038;
	[tilespmem:$0x19400] =	vst v63  }
0x2e: {  	s28 =	simm.s32 @!p6 $0x0;
	p5 =	sne.s32 s5, s18;
	_ =	strace @p6 $0x9000004C  }
0x2f: {  	p1 =	seq.s32 s25, $0x0;
	s13 =	sadd.s32 @!p2 $0x3, s19;
	_ =	strace @!p2 $0x8000004D  }
0x30: {  	s15 =	sadd.s32 s28, s15;
	s20 =	sadd.s32 s28, s20;
	_ =	swait.ge @!p2 [sflag:s13], $0xC800  }
0x31: {  	s19 =	sand.u32 @p3 $0x1, s16;
	s22 =	sadd.s32 @p3 s3, s21;
	[sflag:s13] =	ssyncset.done @!p2 $0x0  }
0x32: {  	s23 =	sshll.u32 @p3 s19, $0x9;
	s22 =	sshll.u32 @p3 s22, $0x6;
	[sflag:s13] =	ssyncadd.s32 @!p2 $0xFFFF3800  }
0x33: {  	s13 =	sadd.s32 @p3 $0x1, s19;
	s19 =	sand.u32 @p3 $0x1FFFFFC0, s22;
	_ =	strace @!p2 $0x9000004D  }
0x34: {  	s22 =	simm.s32 @p3 $0x0;
	s19 =	sadd.s32 @p3 s4, s19;
	_ =	strace @p3 $0x80000049  }
0x35: {  	[tilespmem:s23], [sflag:s13] =	stream.linear.gather @p3 [hbm4b:s19+s22], $0x200, $0x200038;
	[tilespmem:$0x19400] =	vst v63  }
0x36: {  	s30 =	sand.u32 $0x1, s15;
	s28 =	sand.u32 $0x1, s20;
	_ =	strace @p3 $0x90000049  }
0x37: {  	s31 =	smul.u32 $0x32000, s30;
	s28 =	sadd.s32 $0x1, s28;
	_ =	strace $0x8000004A  }
0x38: {  	s24 =	sadd.s32 s3, s21;
	s21 =	sadd.s32 $0x1, s21;
	_ =	swait.ge [sflag:s28], $0x200  }
0x39: {  	s29 =	sshrl.u32 s31, $0x2;
	s31 =	sshll.u32 s20, $0x9;
	[sflag:s28] =	ssyncset.done $0x0  }
0x3a: {  	s31 =	sand.u32 $0x200, s31;
	p2 =	por p1, p1;
	[sflag:s28] =	ssyncadd.s32 $0xFFFFFE00  }
0x3b: {  	s13 =	simm.s32 $0x1;
	s19 =	sand.u32 @!p1 $0x1, s14;
	_ =	strace $0x9000004A  }
0x3c: {  	p1 =	seq.s32 s21, s5;
	s13 =	simm.s32 @!p3 $0x0;
	_ =	strace $0x8000004B  }
0x3d: {  	s16 =	sadd.s32 s13, s16;
	s13 =	smov.u32 s17;
	s23 =	rddreg [dreg:$0x4]  }
0x3e: {  	s17 =	smov.u32 s24;
	s24 =	sor.u32 $0x400, s29;
	s28 =	rddreg [dreg:$0x3]  }
0x3f: {  	[tilespmem:s24], [sflag:$0x5] =	stream.indirect.gather [hbm4b:s28+s23], $0x80, s31, s23, $0x2000b8;
	[tilespmem:$0x19400] =	vst v63  }
.Ltmp2:
0x40: {  	p0 =	sne.s32 s25, $0x0;
	s21 =	simm.s32 @p1 $0x0;
	(pc) =	sbr.rel @p5 .LBB2_5-.Ltmp2, $4  }
0x41: {  	p6 =	slt.s32 s12, s7;
	p1 =	sne.s32 s26, s21;
	_ =	swait.ge [sflag:s10], $0xC800  }
0x42: {  	s22 =	smov.u32 s30;
	p3 =	por !p6, !p1;
	[sflag:s10] =	ssyncset.done $0x0  }
0x43: {  	p6 =	seq.s32 s7, s25;
	s23 =	simm.s32 $0x1;
	[sflag:s10] =	ssyncadd.s32 $0xFFFF3800  }
0x44: {  	p6 =	por p6, p4;
	s23 =	simm.s32 @!p0 $0x0;
	_ =	strace $0x9000004B  }
0x45: {  	s18 =	smov.u32 s13  }
0x46: {  	s25 =	smov.u32 s21;
	s13 =	smov.u32 s17;
	p5 =	por $0x1, $0x1  }
.LBB2_7:
0x47: {  	p0 =	por !p6, !p5  }
0x48: {  	s17 =	smul.u32 @!p0 $0xC800, s18  }
0x49: {  	s21 =	simm.s32 $0x1;
	_ =	strace @!p0 $0x8000004C  }
0x4a: {  	p4 =	por p2, !p5;
	s18 =	rddreg [dreg:$0x5];
	s17 =	sshrl.u32 @!p0 s17, $0x3  }
0x4b: {  	s22 =	sadd.s32 @!p0 $0x3, s22;
	s17 =	sadd.s32 @!p0 s18, s17;
	s18 =	simm.s32 @!p0 $0x0  }
0x4c: {  	[hbm4b:s17+s18] =	stream.linear.scatter @!p0 [tilespmem:s24], [sflag:s22], $0xC800, $0x200038;
	[tilespmem:$0x19400] =	vst v63  }
0x4d: {  	p2 =	por !p3, !p3;
	s21 =	simm.s32 @p0 $0x0;
	_ =	strace @!p0 $0x9000004C  }
0x4e: {  	s19 =	sadd.s32 @!p4 $0x3, s19;
	s16 =	sand.u32 @p2 $0x1, s16;
	_ =	strace @!p4 $0x8000004D  }
0x4f: {  	s17 =	sadd.s32 @p5 s21, s20;
	s18 =	simm.s32 $0x0;
	_ =	swait.ge @!p4 [sflag:s19], $0xC800  }
0x50: {  	s18 =	smov.u32 @p5 s17;
	s17 =	sadd.s32 @p2 s3, s25;
	[sflag:s19] =	ssyncset.done @!p4 $0x0  }
0x51: {  	s20 =	sshll.u32 @p2 s16, $0x9;
	s17 =	sshll.u32 @p2 s17, $0x6;
	[sflag:s19] =	ssyncadd.s32 @!p4 $0xFFFF3800  }
0x52: {  	s16 =	sadd.s32 @p2 $0x1, s16;
	s17 =	sand.u32 @p2 $0x1FFFFFC0, s17;
	_ =	strace @!p4 $0x9000004D  }
0x53: {  	s17 =	sadd.s32 @p2 s4, s17;
	s19 =	simm.s32 @p2 $0x0;
	_ =	strace @p2 $0x80000049  }
0x54: {  	[tilespmem:s20], [sflag:s16] =	stream.linear.gather @p2 [hbm4b:s17+s19], $0x200, $0x200038;
	[tilespmem:$0x19400] =	vst v63  }
0x55: {  	s28 =	sand.u32 $0x1, s18;
	_ =	strace @p2 $0x90000049  }
0x56: {  	s16 =	sadd.s32 $0x1, s28;
	_ =	strace $0x8000004A  }
0x57: {  	s15 =	sadd.s32 @p5 s21, s15;
	s17 =	simm.s32 $0x0;
	_ =	swait.ge [sflag:s16], $0x200  }
0x58: {  	s17 =	smov.u32 @p5 s15;
	[sflag:s16] =	ssyncset.done $0x0  }
0x59: {  	s15 =	sand.u32 $0x1, s17;
	[sflag:s16] =	ssyncadd.s32 $0xFFFFFE00  }
0x5a: {  	s29 =	smul.u32 $0x32000, s15;
	_ =	strace $0x9000004A  }
0x5b: {  	_ =	strace $0x8000004B  }
0x5c: {  	s18 =	sshll.u32 s18, $0x9;
	s16 =	sshrl.u32 s29, $0x2;
	s30 =	rddreg [dreg:$0x4]  }
0x5d: {  	s18 =	sand.u32 $0x200, s18;
	s16 =	sor.u32 $0x400, s16;
	s31 =	rddreg [dreg:$0x3]  }
0x5e: {  	[tilespmem:s16], [sflag:$0x5] =	stream.indirect.gather [hbm4b:s31+s30], $0x80, s18, s30, $0x2000b8;
	[tilespmem:$0x19400] =	vst v63  }
0x5f: {  	_ =	swait.ge [sflag:s10], $0xC800  }
0x60: {  	p6 =	seq.s32 s7, s12;
	p4 =	por p1, p1;
	[sflag:s10] =	ssyncset.done $0x0  }
0x61: {  	p1 =	por p6, p4;
	[sflag:s10] =	ssyncadd.s32 $0xFFFF3800  }
0x62: {  	s14 =	sadd.s32 @p5 s23, s14;
	s13 =	smul.u32 @p1 $0xC800, s13;
	_ =	strace $0x9000004B  }
0x63: {  	p0 =	seq.s32 s12, $0x0;
	s18 =	simm.s32 $0x0;
	_ =	strace @p1 $0x8000004C  }
0x64: {  	s13 =	sshrl.u32 @p1 s13, $0x3;
	s18 =	smov.u32 @p5 s14;
	s17 =	rddreg [dreg:$0x5]  }
0x65: {  	s14 =	sadd.s32 @p1 $0x3, s15;
	s15 =	simm.s32 @p1 $0x0;
	s13 =	sadd.s32 @p1 s17, s13  }
0x66: {  	[hbm4b:s13+s15] =	stream.linear.scatter @p1 [tilespmem:s16], [sflag:s14], $0xC800, $0x200038;
	[tilespmem:$0x19400] =	vst v63  }
0x67: {  	s13 =	sand.u32 @!p0 $0x1, s18;
	p0 =	por p0, p0;
	_ =	strace @p1 $0x9000004C  }
0x68: {  	s13 =	sadd.s32 @!p0 $0x3, s13;
	_ =	strace @!p0 $0x8000004D  }
0x69: {  	p1 =	sne.s32 s12, $0x0;
	s12 =	simm.s32 $0x1;
	_ =	swait.ge @!p0 [sflag:s13], $0xC800  }
0x6a: {  	s12 =	simm.s32 @!p1 $0x0;
	[sflag:s13] =	ssyncset.done @!p0 $0x0  }
0x6b: {  	s11 =	sadd.s32 $0x1, s11;
	s12 =	sadd.s32 s12, s18;
	[sflag:s13] =	ssyncadd.s32 @!p0 $0xFFFF3800  }
0x6c: {  	s12 =	sand.u32 $0x1, s12;
	_ =	strace @!p0 $0x9000004D;
	p0 =	sne.s32 s11, s8  }
.Ltmp3:
0x6d: {  	s12 =	sadd.s32 $0x3, s12;
	_ =	strace $0x8000004E;
	(pc) =	sbr.rel @p0 .LBB2_1-.Ltmp3, $4  }
.Ltmp4:
0x6e: {  	_ =	swait.ge [sflag:s12], $0xC800;
	(pc) =	sbr.rel @!p0 .LBB2_8-.Ltmp4, $4  }
0x6f: {  	[sflag:s12] =	ssyncset.done $0x0  }
0x70: {  	[sflag:s12] =	ssyncadd.s32 $0xFFFF3800  }
0x71: {  	_ =	strace $0x9000004E  }
0x72: {  	_ = 	snop  }
.LBB2_2:
.Ltmp5:
0x73: {  	(pc) =	sbr.rel .LBB2_7-.Ltmp5, $3  }
0x74: {  	_ =	sdelay $0x1  }
0x75: {  	s12 =	simm.s32 $0x0;
	s15 =	simm.s32 $0x0  }
0x76: {  	s20 =	simm.s32 $0x0;
	s14 =	simm.s32 $0x0;
	s16 =	simm.s32 $0x1  }
.LBB2_4:
.Ltmp6:
0x77: {  	(pc) =	sbr.rel .LBB2_7-.Ltmp6, $4  }
0x78: {  	_ = 	snop  }
0x79: {  	s18 =	smov.u32 s13  }
0x7a: {  	s25 =	smov.u32 s21;
	s15 =	simm.s32 $0x0;
	s20 =	simm.s32 $0x0  }
0x7b: {  	s14 =	simm.s32 $0x0;
	s13 =	smov.u32 s17;
	p5 =	por $0x1, $0x1  }
.LBB2_8:
0x7c: {  	_ =	sfence.sel $0x180000  }
0x7d: {  	[bflag:$0x0] =	sbarrier.arrive $0xFFFF  }
0x7e: {  	p0 =	sne.s32 s1, $0x0;
	_ =	strace $0x90000047  }
0x7f: {  	s0 =	sadd.s32 @!p0 $0x100000, s0;
	[bflag:$0x2] =	sbarrier.arrive $0xFFFF  }
0x80: {  	[sflag:s0] =	ssyncadd.tile.s32 @!p0 $0x1;
	_ =	shalt  }
.Lfunc_end2:
_tile_overlayer_lowered:
.L_overlay_start_2:
0x81: {  	(tag) =	ssettag $0x2  }
0x82: {  	s0 =	rddreg [dreg:$0x0];
	s2 =	stileid.u32  }
0x83: {  	s1 =	rddreg [dreg:$0x1];
	p0 =	sne.s32 s2, $0x0  }
0x84: {  	s3 =	rddreg [dreg:$0x2];
	[bflag:$0x3] =	sbarrier.arrive $0xFFFF;
	s2 =	simm.s32 @!p0 $0x1C01  }
0x85: {  	[timem:s3], [sflag:s2] =	dma.local @!p0 [hbm:s0], s1  }
0x86: {  	s0 =	simm.s32 @!p0 $0x1  }
0x87: {  	_ =	swait.ge @!p0 [sflag:s0], s1  }
0x88: {  	s1 =	ssub.s32 @!p0 $0x0, s1;
	[sflag:s0] =	ssyncset.done @!p0 $0x0  }
0x89: {  	[sflag:s0] =	ssyncadd.s32 @!p0 s1  }
0x8a: {  	[bflag:$0x3] =	sbarrier.arrive $0xFFFF  }
0x8b: {  	_ =	shalt  }

// kernel: sparse-core-data-format-call.cloned.1.call-start
scs
called_computation_lowered:
.L_overlay_start_0:
0x0: {  	s2 =	sld [smem:$0x3FD9]  }
0x1: {  	s3 =	sld [smem:$0x3FFE];
	_ =	sdelay $0x1  }
0x2: {  	s1 =	srdreg.scid  }
0x3: {  	s0 =	sand.u32 $0x1, s1  }
0x4: {  	s18 =	sshll.u32 s0, $0xA;
	s2 =	sadd.s32 s3, s2  }
0x5: {  	s2 =	sadd.s32 s2, s18  }
0x6: {  	[smem:$0x3FC6] =	sst s2  }
0x7: {  	_ = 	snop  }
0x8: {  	s2 =	sld [smem:$0x3FD0];
	(tm) =	ssettm $0x1  }
0x9: {  	s19 =	sld [smem:$0x3FFB];
	_ =	sdelay $0x3  }
0xa: {  	_ =	strace s19  }
0xb: {  	s3 =	sld [smem:$0x3FFC];
	_ =	sdelay $0x3  }
0xc: {  	_ =	strace s3  }
0xd: {  	s3 =	sld [smem:$0x3FFD];
	_ =	sdelay $0x3  }
0xe: {  	_ =	strace s3  }
0xf: {  	_ =	strace $0x8FFFFFFF  }
0x10: {  	s20 =	sld [smem:$0x3FDB];
	_ =	sdelay $0x1  }
0x11: {  	s4 =	simm.s32 $_scs_section_size  }
0x12: {  	s5 =	simm.s32 $_size__tile_overlayer_lowered;
	s6 =	simm.s32 $_tile_overlayer_lowered  }
0x13: {  	s23 =	simm.s32 $0x1BFF;
	s22 =	sshll.u32 s6, $0x1;
	s3 =	sadd.s32 s4, s20  }
0x14: {  	s7 =	simm.s32 $0x0;
	s21 =	sshll.u32 s5, $0x1;
	s5 =	sadd.s32 s22, s3  }
0x15: {  	[timem:s7], [sflag:s23] =	dma.local [hbm:s5], s21  }
0x16: {  	_ =	swait.ge [sflag:s23], s21  }
0x17: {  	s4 =	ssub.s32 $0x0, s21;
	[sflag:s23] =	ssyncset.done $0x0  }
0x18: {  	[sflag:s23] =	ssyncadd.s32 s4;
	_ =	sdelay $0x1  }
0x19: {  	s24 =	simm.s32 $0x1B8B  }
0x1a: {  	_ =	swait.ge [sflag:s24], $0x1  }
0x1b: {  	[sflag:s24] =	ssyncset.done $0x0  }
0x1c: {  	s26 =	simm.s32 $0x1B8E;
	s25 =	sld [smem:$0x3FFE];
	[sflag:s24] =	ssyncadd.s32 $0xFFFFFFFF  }
0x1d: {  	s27 =	simm.s32 $execute0_lowered;
	[smem:$0x3FD2] =	sst s26  }
0x1e: {  	s5 =	sshll.u32 s27, $0x1;
	_ =	strace $0x80000050;
	[dreg:$0x1] =	wrdreg $0xFFFFFFFF  }
0x1f: {  	s28 =	simm.s32 $_size_execute0_lowered;
	s3 =	sadd.s32 s3, s5;
	[dreg:$0x0] =	wrdreg $0x0  }
0x20: {  	s5 =	sshll.u32 s28, $0x1;
	[dreg:$0x2] =	wrdreg s3  }
0x21: {  	[dreg:$0x3] =	wrdreg s5  }
0x22: {  	[dreg:$0x4] =	wrdreg $0xC0  }
0x23: {  	_ =	task [dreg:s7], $0x5FFFF  }
0x24: {  	[dreg:$0x1] =	wrdreg $0xFFFFFFFF  }
0x25: {  	[dreg:$0x0] =	wrdreg $0x60  }
0x26: {  	[dreg:$0x2] =	wrdreg s25  }
0x27: {  	[dreg:$0x3] =	wrdreg s2  }
0x28: {  	[dreg:$0x4] =	wrdreg $0x9  }
0x29: {  	_ =	task.clear_ibuf [dreg:s7], $0x5FFFF;
	_ =	strace $0x90000050  }
0x2a: {  	s29 =	simm.s32 $0x9;
	_ =	strace $0x80000052  }
0x2b: {  	_ =	swait.ge [sflag:s29], $0x1  }
0x2c: {  	[sflag:s29] =	ssyncadd.s32 $0xFFFFFFFF  }
0x2d: {  	_ =	strace $0x90000052  }
0x2e: {  	_ =	sfence  }
0x2f: {  	s30 =	sld [smem:$0x0];
	_ =	sdelay $0x2  }
0x30: {  	s31 =	sshll.u32 s1, $0xD;
	s1 =	sshrl.u32 s1, $0x2  }
0x31: {  	s3 =	sand.u32 $0x4000, s31;
	s1 =	sadd.s32 s1, s30  }
0x32: {  	s0 =	sor.u32 s3, s0;
	s1 =	sshll.u32 s1, $0x11  }
0x33: {  	s0 =	sor.u32 s1, s0  }
0x34: {  	s0 =	sadd.s32 $0x8F2B, s0  }
0x35: {  	[sflag:s0] =	ssyncadd.remote.s32 $0x1  }
0x36: {  	_ =	sfence.sel $0xFFFF  }
0x37: {  	[dreg:$0x0] =	wrdreg $0xFFFFFFFF;
	(pc) =	sbr.abs _section_cstart, $3  }
0x38: {  	[dreg:$0x1] =	wrdreg $0xFFFFFFFF  }
0x39: {  	_ =	task.clear_ibuf [dreg:s7], $0x2FFFF;
	_ =	strace $0x9FFFFFFF  }
0x3a: {  	(tm) =	ssettm $0x7FFFFFFF  }
0x3b: {  	_ =	shalt  }
tec
execute0_lowered:
.L_overlay_start_1:
0x0: {  	(tag) =	ssettag $0x1  }
0x1: {  	s0 =	srdreg.scid;
	s1 =	rddreg [dreg:$0x0]  }
0x2: {  	s2 =	stileid.u32;
	s6 =	rddreg [dreg:$0x1];
	_ =	strace $0x80000051  }
0x3: {  	s10 =	simm.s32 $0x1;
	s31 =	simm.s32 $0x2;
	s28 =	simm.s32 $0x0  }
0x4: {  	s29 =	simm.s32 $0x0;
	s30 =	simm.s32 $0x0;
	s19 =	sadd.s32 $0x138800, s6  }
0x5: {  	s0 =	sshll.u32 s0, $0x4;
	s20 =	sadd.s32 $0x9C400, s6;
	[dreg:$0x3] =	wrdreg s19  }
0x6: {  	s4 =	sadd.s32 $0xA00, s1;
	s21 =	sadd.s32 $0x1D4C00, s6;
	[dreg:$0x4] =	wrdreg s20  }
0x7: {  	s22 =	sadd.s32 $0x271000, s6;
	s23 =	sadd.s32 $0x30D400, s6;
	[dreg:$0x5] =	wrdreg s21  }
0x8: {  	s24 =	sadd.s32 $0x3A9800, s6;
	[sflag:s10] =	ssyncpa.u1 $0x0;
	[dreg:$0x6] =	wrdreg s22  }
0x9: {  	s25 =	sadd.s32 $0x445C00, s6;
	s26 =	sadd.s32 $0x57E400, s6;
	[dreg:$0x7] =	wrdreg s23  }
0xa: {  	s15 =	sadd.s32 $0x61A800, s6;
	s16 =	sadd.s32 $0x6B6C00, s6;
	[dreg:$0x8] =	wrdreg s24  }
0xb: {  	s17 =	sadd.s32 $0x4E2000, s6;
	s18 =	sadd.s32 $0x753000, s6;
	[dreg:$0x9] =	wrdreg s25  }
0xc: {  	s1 =	simm.s32 $0x0;
	s0 =	sand.u32 $0x10, s0;
	[dreg:$0xa] =	wrdreg s26  }
0xd: {  	s19 =	sadd.s32 $0x7EF400, s6;
	[sflag:s31] =	ssyncpa.u1 $0x0;
	s3 =	sor.u32 s2, s0  }
.Ltmp0:
0xe: {  	s20 =	sadd.s32 $0x88B800, s6;
	s0 =	ssub.s32 $0x51, s3;
	(pc) =	sbr.rel .LBB1_1-.Ltmp0, $4  }
0xf: {  	s21 =	sadd.s32 $0x927C00, s6;
	s26 =	simm.s32 $0x0;
	s0 =	sshrl.u32 s0, $0x5  }
0x10: {  	s23 =	simm.s32 $0x40;
	s24 =	simm.s32 $0x80;
	s5 =	smul.u32 $0x32, s0  }
0x11: {  	s25 =	simm.s32 $0x0;
	s6 =	simm.s32 $0x0;
	s2 =	simm.s32 $0x0  }
0x12: {  	s27 =	smov.u32 s3;
	s0 =	simm.s32 $0x0;
	s22 =	sor.u32 $0x1, s5  }
.LBB1_7:
0x13: {  	s7 =	sadd.s32 $0x1, s1  }
0x14: {  	s0 =	sadd.s32 $0x20, s27;
	s8 =	smov.u32 s27;
	p1 =	sgt.s32 s7, $0x31  }
0x15: {  	s8 =	smov.u32 @p1 s0  }
0x16: {  	s9 =	smov.u32 s28;
	s0 =	sadd.s32 $0x10, s28;
	p2 =	sgt.s32 s8, $0x31  }
0x17: {  	s9 =	smov.u32 @p2 s0  }
0x18: {  	s11 =	smov.u32 s29;
	s0 =	sadd.s32 $0x10, s29;
	p3 =	sgt.s32 s9, $0xF  }
0x19: {  	p0 =	slt.u32 s30, $0x2;
	s11 =	smov.u32 @p3 s0  }
0x1a: {  	s26 =	smov.u32 s1;
	s7 =	simm.s32 @p1 $0x0;
	p1 =	sgt.s32 s11, $0xF  }
0x1b: {  	s12 =	simm.s32 @!p0 $0x2;
	s11 =	simm.s32 @p1 $0x0;
	p1 =	sne.s32 s30, s22  }
.Ltmp1:
0x1c: {  	s2 =	smov.u32 s28;
	_ =	swait.ge @!p0 [sflag:s12], $0x4000;
	(pc) =	sbr.rel @!p1 .LBB1_8-.Ltmp1, $4  }
0x1d: {  	s6 =	smov.u32 s29;
	s25 =	sadd.s32 $0x4000, s25;
	[sflag:s12] =	ssyncset.done @!p0 $0x0  }
0x1e: {  	s1 =	smov.u32 s7;
	s8 =	smov.u32 @p2 s3;
	[sflag:s12] =	ssyncadd.s32 @!p0 $0xFFFFC000  }
0x1f: {  	s9 =	simm.s32 @p3 $0x0;
	s0 =	smov.u32 s27;
	s27 =	smov.u32 s8  }
0x20: {  	s28 =	smov.u32 s9;
	s30 =	sadd.s32 $0x1, s30;
	s29 =	smov.u32 s11  }
.LBB1_1:
0x21: {  	p0 =	sge.u32 s30, s5  }
0x22: {  	s7 =	sand.u32 @!p0 $0x1FFFFFF, s1;
	s9 =	smul.u32 @!p0 $0xAF000, s29  }
0x23: {  	s8 =	smulhi.u32 @!p0 $0x4924925, s7  }
0x24: {  	s11 =	smul.u32 @!p0 $0xAF00, s28  }
0x25: {  	s31 =	sadd.s32 $0xFFFFFFFF, s30;
	s8 =	smul.u32 @!p0 $0x38, s8  }
0x26: {  	s12 =	sxor.u32 @!p0 $0xFFFFFFFF, s30;
	s13 =	smul.u32 @!p0 $0x380, s27;
	s9 =	sadd.s32 @!p0 s4, s9  }
0x27: {  	s9 =	sadd.s32 @!p0 s11, s9;
	s11 =	simm.s32 @!p0 $0x57800;
	s7 =	ssub.s32 @!p0 s7, s8  }
0x28: {  	s9 =	sadd.s32 @!p0 s13, s9;
	s8 =	sshll.u32 @!p0 s12, $0xE;
	s7 =	sshll.u32 @!p0 s7, $0x4  }
0x29: {  	s8 =	sand.u32 @!p0 $0x4000, s8;
	s7 =	sadd.s32 @!p0 s7, s9;
	s9 =	simm.s32 @!p0 $0x40  }
0x2a: {  	[tilespmem:s8], [sflag:$0x1] =	stream.strided.gather @!p0 [hbm4b:s7+s9], $0x4000, s11, s9, $0x38;
	[tilespmem:$0x10000] =	vst v63  }
0x2b: {  	p0 =	sge.u32 s31, s5  }
.Ltmp2:
0x2c: {  	_ = 	snop;
	(pc) =	sbr.rel @p0 .LBB1_7-.Ltmp2, $1  }
0x2d: {  	_ =	sdelay $0x3  }
0x2e: {  	s8 =	sand.u32 $0x4000, s25  }
0x2f: {  	_ =	swait.ge [sflag:s10], $0x4000;
	s11 =	sshll.u32 s30, $0xE;
	s7 =	sor.u32 $0x30, s8  }
0x30: {  	s9 =	sor.u32 $0x8020, s8;
	[sflag:s10] =	ssyncset.done $0x0;
	s31 =	sand.u32 $0x4000, s11  }
0x31: {  	s11 =	simm.s32 $0x0;
	[sflag:s10] =	ssyncadd.s32 $0xFFFFC000;
	s8 =	sor.u32 $0x8000, s31  }
.LBB1_3:
0x32: {  	v1 =	vmov s7;
	_ =	sdelay $0x3  }
0x33: {  	s12 =	simm.s32 $0x0  }
0x34: {  	v3 =	vld.idx.msk [tilespmem:v1+s12+$0x0 ss:$0x1], $0xffff  }
0x35: {  	v0 =	vmov s9;
	v4 =	vld.idx.msk [tilespmem:v1+s12+$0xFFFFFFD0 ss:$0x1], $0xffff  }
0x36: {  	v2 =	vld.idx.msk [tilespmem:v1+s12+$0xFFFFFFE0 ss:$0x1], $0xffff  }
0x37: {  	s13 =	simm.s32 $0x100;
	v5 =	vld.idx.msk [tilespmem:v1+s12+$0xFFFFFFF0 ss:$0x1], $0xffff  }
.LBB1_4:
0x38: {  	p0 =	sne.s32 s13, $0xF00  }
.Ltmp3:
0x39: {  	s14 =	sshra.s32 s13, $0x2;
	s13 =	sadd.s32 $0x100, s13;
	(pc) =	sbr.rel @p0 .LBB1_4-.Ltmp3, $4  }
0x3a: {  	[tilespmem:v0+s12+$0x10 ss:$0x1] =	vst.idx.msk $0xffff, v3;
	v3 =	vld.idx.msk [tilespmem:v1+s14+$0x0 ss:$0x1], $0xffff  }
0x3b: {  	[tilespmem:v0+s12+$0xFFFFFFE0 ss:$0x1] =	vst.idx.msk $0xffff, v4;
	v4 =	vld.idx.msk [tilespmem:v1+s14+$0xFFFFFFD0 ss:$0x1], $0xffff  }
0x3c: {  	[tilespmem:v0+s12+$0xFFFFFFF0 ss:$0x1] =	vst.idx.msk $0xffff, v2;
	v2 =	vld.idx.msk [tilespmem:v1+s14+$0xFFFFFFE0 ss:$0x1], $0xffff  }
0x3d: {  	[tilespmem:v0+s12+$0x0 ss:$0x1] =	vst.idx.msk $0xffff, v5;
	v5 =	vld.idx.msk [tilespmem:v1+s14+$0xFFFFFFF0 ss:$0x1], $0xffff;
	s12 =	smov.u32 s14  }
0x3e: {  	_ = 	snop  }
0x3f: {  	s11 =	sadd.s32 $0x1, s11  }
0x40: {  	p0 =	sne.s32 s11, $0x10  }
.Ltmp4:
0x41: {  	_ = 	snop;
	(pc) =	sbr.rel @p0 .LBB1_3-.Ltmp4, $4  }
0x42: {  	[tilespmem:v0+s12+$0x10 ss:$0x1] =	vst.idx.msk $0xffff, v3  }
0x43: {  	[tilespmem:v0+s12+$0xFFFFFFE0 ss:$0x1] =	vst.idx.msk $0xffff, v4  }
0x44: {  	[tilespmem:v0+s12+$0xFFFFFFF0 ss:$0x1] =	vst.idx.msk $0xffff, v2  }
0x45: {  	s7 =	sadd.s32 $0x400, s7;
	s9 =	sadd.s32 $0x400, s9;
	[tilespmem:v0+s12+$0x0 ss:$0x1] =	vst.idx.msk $0xffff, v5  }
0x46: {  	s6 =	smul.u32 $0x9C400, s6  }
0x47: {  	s0 =	smul.u32 $0x3200, s0;
	_ =	sdelay $0x1  }
0x48: {  	s2 =	sshll.u32 s2, $0x4;
	s11 =	rddreg [dreg:$0x1];
	s9 =	sadd.s32 s6, s0  }
0x49: {  	s7 =	sand.u32 $0xF0, s2;
	s9 =	sadd.s32 s11, s9  }
0x4a: {  	s2 =	sshll.u32 s26, $0x8;
	s9 =	sadd.s32 s7, s9  }
0x4b: {  	s12 =	rddreg [dreg:$0x4];
	s9 =	sadd.s32 s2, s9  }
0x4c: {  	[hbm4b:s9+s23] =	stream.strided.scatter [tilespmem:s8], [sflag:$0x2], $0x400, s24, s23, $0x38;
	[tilespmem:$0x10000] =	vst v63  }
0x4d: {  	s8 =	sadd.s32 s6, s12  }
0x4e: {  	s8 =	sadd.s32 s0, s8  }
0x4f: {  	s8 =	sadd.s32 s7, s8  }
0x50: {  	s13 =	sadd.s32 $0x8400, s31;
	s14 =	rddreg [dreg:$0x3];
	s8 =	sadd.s32 s2, s8  }
0x51: {  	[hbm4b:s8+s23] =	stream.strided.scatter [tilespmem:s13], [sflag:$0x2], $0x400, s24, s23, $0x38;
	[tilespmem:$0x10000] =	vst v63  }
0x52: {  	s8 =	sadd.s32 s6, s14  }
0x53: {  	s8 =	sadd.s32 s0, s8  }
0x54: {  	s8 =	sadd.s32 s7, s8  }
0x55: {  	s26 =	sadd.s32 $0x8800, s31;
	s9 =	rddreg [dreg:$0x5];
	s8 =	sadd.s32 s2, s8  }
0x56: {  	[hbm4b:s8+s23] =	stream.strided.scatter [tilespmem:s26], [sflag:$0x2], $0x400, s24, s23, $0x38;
	[tilespmem:$0x10000] =	vst v63  }
0x57: {  	s8 =	sadd.s32 s6, s9  }
0x58: {  	s8 =	sadd.s32 s0, s8  }
0x59: {  	s8 =	sadd.s32 s7, s8  }
0x5a: {  	s11 =	sadd.s32 $0x8C00, s31;
	s12 =	rddreg [dreg:$0x6];
	s8 =	sadd.s32 s2, s8  }
0x5b: {  	[hbm4b:s8+s23] =	stream.strided.scatter [tilespmem:s11], [sflag:$0x2], $0x400, s24, s23, $0x38;
	[tilespmem:$0x10000] =	vst v63  }
0x5c: {  	s8 =	sadd.s32 s6, s12  }
0x5d: {  	s8 =	sadd.s32 s0, s8  }
0x5e: {  	s8 =	sadd.s32 s7, s8  }
0x5f: {  	s13 =	sadd.s32 $0x9000, s31;
	s14 =	rddreg [dreg:$0x7];
	s8 =	sadd.s32 s2, s8  }
0x60: {  	[hbm4b:s8+s23] =	stream.strided.scatter [tilespmem:s13], [sflag:$0x2], $0x400, s24, s23, $0x38;
	[tilespmem:$0x10000] =	vst v63  }
0x61: {  	s8 =	sadd.s32 s6, s14  }
0x62: {  	s8 =	sadd.s32 s0, s8  }
0x63: {  	s8 =	sadd.s32 s7, s8  }
0x64: {  	s26 =	sadd.s32 $0x9400, s31;
	s9 =	rddreg [dreg:$0x8];
	s8 =	sadd.s32 s2, s8  }
0x65: {  	[hbm4b:s8+s23] =	stream.strided.scatter [tilespmem:s26], [sflag:$0x2], $0x400, s24, s23, $0x38;
	[tilespmem:$0x10000] =	vst v63  }
0x66: {  	s8 =	sadd.s32 s6, s9  }
0x67: {  	s8 =	sadd.s32 s0, s8  }
0x68: {  	s8 =	sadd.s32 s7, s8  }
0x69: {  	s11 =	sadd.s32 $0x9800, s31;
	s12 =	rddreg [dreg:$0x9];
	s8 =	sadd.s32 s2, s8  }
0x6a: {  	[hbm4b:s8+s23] =	stream.strided.scatter [tilespmem:s11], [sflag:$0x2], $0x400, s24, s23, $0x38;
	[tilespmem:$0x10000] =	vst v63  }
0x6b: {  	s8 =	sadd.s32 s6, s12  }
0x6c: {  	s8 =	sadd.s32 s0, s8  }
0x6d: {  	s8 =	sadd.s32 s7, s8  }
0x6e: {  	s13 =	sadd.s32 $0x9C00, s31;
	s14 =	sadd.s32 s6, s17;
	s8 =	sadd.s32 s2, s8  }
0x6f: {  	[hbm4b:s8+s23] =	stream.strided.scatter [tilespmem:s13], [sflag:$0x2], $0x400, s24, s23, $0x38;
	[tilespmem:$0x10000] =	vst v63  }
0x70: {  	s8 =	sadd.s32 s0, s14  }
0x71: {  	s8 =	sadd.s32 s7, s8  }
0x72: {  	s26 =	sadd.s32 $0xA000, s31;
	s9 =	rddreg [dreg:$0xa];
	s8 =	sadd.s32 s2, s8  }
0x73: {  	[hbm4b:s8+s23] =	stream.strided.scatter [tilespmem:s26], [sflag:$0x2], $0x400, s24, s23, $0x38;
	[tilespmem:$0x10000] =	vst v63  }
0x74: {  	s8 =	sadd.s32 s6, s9  }
0x75: {  	s8 =	sadd.s32 s0, s8  }
0x76: {  	s8 =	sadd.s32 s7, s8  }
0x77: {  	s11 =	sadd.s32 $0xA400, s31;
	s12 =	sadd.s32 s6, s15;
	s8 =	sadd.s32 s2, s8  }
0x78: {  	[hbm4b:s8+s23] =	stream.strided.scatter [tilespmem:s11], [sflag:$0x2], $0x400, s24, s23, $0x38;
	[tilespmem:$0x10000] =	vst v63  }
0x79: {  	s8 =	sadd.s32 s0, s12  }
0x7a: {  	s8 =	sadd.s32 s7, s8  }
0x7b: {  	s13 =	sadd.s32 $0xA800, s31;
	s14 =	sadd.s32 s6, s16;
	s8 =	sadd.s32 s2, s8  }
0x7c: {  	[hbm4b:s8+s23] =	stream.strided.scatter [tilespmem:s13], [sflag:$0x2], $0x400, s24, s23, $0x38;
	[tilespmem:$0x10000] =	vst v63  }
0x7d: {  	s8 =	sadd.s32 s0, s14  }
0x7e: {  	s8 =	sadd.s32 s7, s8  }
0x7f: {  	s26 =	sadd.s32 $0xAC00, s31;
	s9 =	sadd.s32 s6, s18;
	s8 =	sadd.s32 s2, s8  }
0x80: {  	[hbm4b:s8+s23] =	stream.strided.scatter [tilespmem:s26], [sflag:$0x2], $0x400, s24, s23, $0x38;
	[tilespmem:$0x10000] =	vst v63  }
0x81: {  	s8 =	sadd.s32 s0, s9  }
0x82: {  	s8 =	sadd.s32 s7, s8  }
0x83: {  	s11 =	sadd.s32 $0xB000, s31;
	s12 =	sadd.s32 s6, s19;
	s8 =	sadd.s32 s2, s8  }
0x84: {  	[hbm4b:s8+s23] =	stream.strided.scatter [tilespmem:s11], [sflag:$0x2], $0x400, s24, s23, $0x38;
	[tilespmem:$0x10000] =	vst v63  }
0x85: {  	s8 =	sadd.s32 s0, s12  }
0x86: {  	s8 =	sadd.s32 s7, s8  }
0x87: {  	s13 =	sadd.s32 $0xB400, s31;
	s14 =	sadd.s32 s6, s20;
	s8 =	sadd.s32 s2, s8  }
0x88: {  	[hbm4b:s8+s23] =	stream.strided.scatter [tilespmem:s13], [sflag:$0x2], $0x400, s24, s23, $0x38;
	[tilespmem:$0x10000] =	vst v63  }
0x89: {  	s6 =	sadd.s32 s6, s21;
	s8 =	sadd.s32 s0, s14  }
.Ltmp5:
0x8a: {  	s0 =	sadd.s32 s0, s6;
	s8 =	sadd.s32 s7, s8;
	(pc) =	sbr.rel .LBB1_7-.Ltmp5, $4  }
0x8b: {  	s26 =	sadd.s32 $0xB800, s31;
	s0 =	sadd.s32 s7, s0;
	s8 =	sadd.s32 s2, s8  }
0x8c: {  	[hbm4b:s8+s23] =	stream.strided.scatter [tilespmem:s26], [sflag:$0x2], $0x400, s24, s23, $0x38;
	[tilespmem:$0x10000] =	vst v63  }
0x8d: {  	s31 =	sadd.s32 $0xBC00, s31;
	s0 =	sadd.s32 s2, s0  }
0x8e: {  	[hbm4b:s0+s23] =	stream.strided.scatter [tilespmem:s31], [sflag:$0x2], $0x400, s24, s23, $0x38;
	[tilespmem:$0x10000] =	vst v63  }
.LBB1_8:
0x8f: {  	_ =	sfence.sel $0x180000  }
0x90: {  	s0 =	simm.s32 $0x1;
	[bflag:$0x0] =	sbarrier.arrive $0xFFFF  }
0x91: {  	s30 =	simm.s32 $0x2;
	[sflag:s0] =	ssyncpa.u1 $0x1  }
0x92: {  	[sflag:s30] =	ssyncpa.u1 $0x1  }
0x93: {  	_ =	strace $0x90000051  }
0x94: {  	s31 =	stileid.u32;
	[bflag:$0x2] =	sbarrier.arrive $0xFFFF  }
0x95: {  	p0 =	sne.s32 s31, $0x0;
	s0 =	rddreg [dreg:$0x2]  }
0x96: {  	s0 =	sadd.s32 @!p0 $0x100000, s0  }
0x97: {  	[sflag:s0] =	ssyncadd.tile.s32 @!p0 $0x1;
	_ =	shalt  }
.Lfunc_end1:
_tile_overlayer_lowered:
.L_overlay_start_2:
0x98: {  	(tag) =	ssettag $0x2  }
0x99: {  	s0 =	rddreg [dreg:$0x0];
	s2 =	stileid.u32  }
0x9a: {  	s1 =	rddreg [dreg:$0x1];
	p0 =	sne.s32 s2, $0x0  }
0x9b: {  	s3 =	rddreg [dreg:$0x2];
	[bflag:$0x3] =	sbarrier.arrive $0xFFFF;
	s2 =	simm.s32 @!p0 $0x1C01  }
0x9c: {  	[timem:s3], [sflag:s2] =	dma.local @!p0 [hbm:s0], s1  }
0x9d: {  	s0 =	simm.s32 @!p0 $0x1  }
0x9e: {  	_ =	swait.ge @!p0 [sflag:s0], s1  }
0x9f: {  	s1 =	ssub.s32 @!p0 $0x0, s1;
	[sflag:s0] =	ssyncset.done @!p0 $0x0  }
0xa0: {  	[sflag:s0] =	ssyncadd.s32 @!p0 s1  }
0xa1: {  	[bflag:$0x3] =	sbarrier.arrive $0xFFFF  }
0xa2: {  	_ =	shalt  }

</sc_bundles>
